<compile_context>
chip_gen: v7x
topology: tpu7x:2x2x1
jax: 0.10.2.dev20260603
libtpu: 0.0.44.dev20260713+nightly
codegen_flags: <defaults>
</compile_context>

<pallas_src>
import functools

import jax
import jax.numpy as jnp
from jax import lax
from jax.experimental import pallas as pl
from jax.experimental.pallas import tpu as pltpu
from jax.experimental.pallas import tpu_sc as plsc

N = 10000
E = 160000
NPAD = 10240
EPAD = 163840
NC, NS, L = 2, 16, 16
NW = NC * NS
EPW = EPAD // NW
CH = 128
NCH = EPW // CH
SEG = NPAD // NS
DH = 32
DL = 16
N_IN = 128

_MESH = plsc.VectorSubcoreMesh(
    core_axis_name="c", subcore_axis_name="s", num_cores=NC, num_subcores=NS)
_SC_PARAMS = pltpu.CompilerParams(
    needs_layout_passes=False, use_tc_tiling_on_sc=False)


_EW = E // NW


@functools.partial(
    pl.kernel,
    out_type=jax.ShapeDtypeStruct((NC, NPAD), jnp.float32),
    mesh=_MESH,
    scratch_types=[
        pltpu.VMEM((_EW + L, ), jnp.int32),
        pltpu.VMEM((NPAD,), jnp.float32),
        pltpu.VMEM((NS, SEG), jnp.float32),
        pltpu.VMEM((SEG,), jnp.float32),
        pltpu.VMEM_SHARED((NS, NPAD), jnp.float32),
        pltpu.SemaphoreType.DMA,
    ],
    compiler_params=_SC_PARAMS,
)
def _deg_kernel(dst_hbm, out_hbm, idx_v, hist_v, blk_v, red_v, shared, semi):
    cid = lax.axis_index("c")
    sid = lax.axis_index("s")
    wid = cid * NS + sid

    pltpu.async_copy(dst_hbm.at[pl.ds(wid * _EW, _EW)],
                     idx_v.at[pl.ds(0, _EW)], semi)

    zeros = jnp.zeros((L,), jnp.float32)
    ones = jnp.ones((L,), jnp.float32)

    def _zero(i, _):
        hist_v[pl.ds(i * L, L)] = zeros
        return _
    lax.fori_loop(0, NPAD // L, _zero, None)

    pltpu.make_async_copy(dst_hbm.at[pl.ds(wid * _EW, _EW)],
                          idx_v.at[pl.ds(0, _EW)], semi).wait()

    def _vec(j, _):
        idx = idx_v[pl.ds(j * L, L)]
        plsc.addupdate_scatter(hist_v, [idx], ones)
        return _
    lax.fori_loop(0, _EW // L, _vec, None)
    tail = idx_v[pl.ds((_EW // L) * L, L)]
    lane = lax.iota(jnp.int32, L)
    tail = jnp.where(lane < (_EW % L), tail, N)
    plsc.addupdate_scatter(hist_v, [tail], ones)

    pltpu.sync_copy(hist_v, shared.at[sid])
    plsc.subcore_barrier()

    seg = sid * SEG
    pltpu.sync_copy(shared.at[:, pl.ds(seg, SEG)], blk_v)

    def _reduce(i, _):
        acc = blk_v[0, pl.ds(i * L, L)]
        for r in range(1, NS):
            acc = acc + blk_v[r, pl.ds(i * L, L)]
        red_v[pl.ds(i * L, L)] = acc
        return _
    lax.fori_loop(0, SEG // L, _reduce, None)

    pltpu.sync_copy(red_v, out_hbm.at[cid, pl.ds(seg, SEG)])


@functools.partial(
    pl.kernel,
    out_type=jax.ShapeDtypeStruct((NC, NPAD, DH), jnp.float32),
    mesh=_MESH,
    scratch_types=[
        pltpu.VMEM((NCH, CH), jnp.int32),
        pltpu.VMEM((NCH, CH), jnp.int32),
        pltpu.VMEM((CH, DH), jnp.float32),
        pltpu.VMEM((CH, DH), jnp.float32),
        pltpu.VMEM((SEG, DH), jnp.float32),
        pltpu.VMEM_SHARED((NPAD, DH), jnp.float32),
        pltpu.SemaphoreType.DMA,
        pltpu.SemaphoreType.DMA,
        pltpu.SemaphoreType.DMA,
    ],
    compiler_params=_SC_PARAMS,
)
def _spmm_kernel(u_hbm, src_hbm, dst_hbm, out_hbm, src_all, dst_all,
                 rows0, rows1, wb, acc, sem0, sem1, semi):
    cid = lax.axis_index("c")
    sid = lax.axis_index("s")
    wid = cid * NS + sid

    pltpu.async_copy(src_hbm.at[wid], src_all, semi)
    pltpu.async_copy(dst_hbm.at[wid], dst_all, semi)

    zeros = jnp.zeros((L,), jnp.float32)

    def _zrow(i, _):
        wb[i, pl.ds(0, L)] = zeros
        wb[i, pl.ds(L, L)] = zeros
        return _
    lax.fori_loop(0, SEG, _zrow, None)
    pltpu.sync_copy(wb, acc.at[pl.ds(sid * SEG, SEG), :])

    pltpu.make_async_copy(src_hbm.at[wid], src_all, semi).wait()
    pltpu.make_async_copy(dst_hbm.at[wid], dst_all, semi).wait()
    pltpu.async_copy(u_hbm.at[src_all.at[0]], rows0, sem0)
    plsc.subcore_barrier()

    def _pipe(j, _):
        c0 = 2 * j
        c1 = c0 + 1
        c2 = jnp.minimum(c0 + 2, NCH - 2)
        pltpu.make_async_copy(u_hbm.at[src_all.at[c0]], rows0, sem0).wait()
        pltpu.async_copy(u_hbm.at[src_all.at[c1]], rows1, sem1)
        pltpu.sync_copy(rows0, acc.at[dst_all.at[c0]], add=True)
        pltpu.make_async_copy(u_hbm.at[src_all.at[c1]], rows1, sem1).wait()
        pltpu.async_copy(u_hbm.at[src_all.at[c2]], rows0, sem0)
        pltpu.sync_copy(rows1, acc.at[dst_all.at[c1]], add=True)
        return _
    lax.fori_loop(0, NCH // 2, _pipe, None)
    pltpu.make_async_copy(u_hbm.at[src_all.at[0]], rows0, sem0).wait()

    plsc.subcore_barrier()
    pltpu.sync_copy(acc.at[pl.ds(sid * SEG, SEG), :], wb)
    pltpu.sync_copy(wb, out_hbm.at[cid, pl.ds(sid * SEG, SEG), :])


def _proj_body(x_ref, w_ref, d_ref, u_ref, dinv_ref):
    dinv = lax.rsqrt(d_ref[0] + d_ref[1] + 1.0)
    xw = jnp.dot(x_ref[...], w_ref[...], preferred_element_type=jnp.float32)
    u_ref[...] = xw * dinv
    dinv_ref[...] = dinv


_proj1 = pl.pallas_call(
    _proj_body,
    grid=(1,),
    in_specs=[
        pl.BlockSpec((N, N_IN), lambda i: (0, 0)),
        pl.BlockSpec((N_IN, DH), lambda i: (0, 0)),
        pl.BlockSpec((NC, N, 1), lambda i: (0, 0, 0)),
    ],
    out_specs=(pl.BlockSpec((N, DH), lambda i: (0, 0)),
               pl.BlockSpec((N, 1), lambda i: (0, 0))),
    out_shape=(jax.ShapeDtypeStruct((N, DH), jnp.float32),
               jax.ShapeDtypeStruct((N, 1), jnp.float32)),
)


def _enc_body(s_ref, u1_ref, dinv_ref, b1_ref, wcat_ref, u2_ref):
    dinv = dinv_ref[...]
    h = s_ref[0] + s_ref[1] + u1_ref[...]
    h = jnp.maximum(h * dinv + b1_ref[...], 0.0)
    hm = jnp.dot(h, wcat_ref[...], preferred_element_type=jnp.float32)
    u2_ref[...] = hm * dinv


_enc = pl.pallas_call(
    _enc_body,
    grid=(1,),
    in_specs=[
        pl.BlockSpec((NC, N, DH), lambda i: (0, 0, 0)),
        pl.BlockSpec((N, DH), lambda i: (0, 0)),
        pl.BlockSpec((N, 1), lambda i: (0, 0)),
        pl.BlockSpec((1, DH), lambda i: (0, 0)),
        pl.BlockSpec((DH, DH), lambda i: (0, 0)),
    ],
    out_specs=pl.BlockSpec((N, DH), lambda i: (0, 0)),
    out_shape=jax.ShapeDtypeStruct((N, DH), jnp.float32),
)


def _head_body(s_ref, u2_ref, dinv_ref, bcat_ref, eps_ref,
               mu_ref, ls_ref, z_ref):
    g = (s_ref[0] + s_ref[1] + u2_ref[...]) * dinv_ref[...]
    g = g + bcat_ref[...]
    mu = g[:, :DL]
    ls = g[:, DL:]
    mu_ref[...] = mu
    ls_ref[...] = ls
    z_ref[...] = mu + eps_ref[...] * jnp.exp(ls)


_head = pl.pallas_call(
    _head_body,
    grid=(1,),
    in_specs=[
        pl.BlockSpec((NC, N, DH), lambda i: (0, 0, 0)),
        pl.BlockSpec((N, DH), lambda i: (0, 0)),
        pl.BlockSpec((N, 1), lambda i: (0, 0)),
        pl.BlockSpec((1, DH), lambda i: (0, 0)),
        pl.BlockSpec((N, DL), lambda i: (0, 0)),
    ],
    out_specs=(pl.BlockSpec((N, DL), lambda i: (0, 0)),
               pl.BlockSpec((N, DL), lambda i: (0, 0)),
               pl.BlockSpec((N, DL), lambda i: (0, 0))),
    out_shape=(jax.ShapeDtypeStruct((N, DL), jnp.float32),
               jax.ShapeDtypeStruct((N, DL), jnp.float32),
               jax.ShapeDtypeStruct((N, DL), jnp.float32)),
)


_BR, _BC = 400, 10000


def _dec_body(zr_ref, zc_ref, o_ref):
    o_ref[...] = lax.dot_general(
        zr_ref[...], zc_ref[...], (((1,), (1,)), ((), ())),
        preferred_element_type=jnp.float32)


_decoder = pl.pallas_call(
    _dec_body,
    grid=(N // _BR,),
    in_specs=[
        pl.BlockSpec((_BR, DL), lambda i: (i, 0)),
        pl.BlockSpec((_BC, DL), lambda i: (0, 0)),
    ],
    out_specs=pl.BlockSpec((_BR, _BC), lambda i: (i, 0)),
    out_shape=jax.ShapeDtypeStruct((N, N), jnp.float32),
)


def kernel(x, W1, b1, Wmu, bmu, Wls, bls, edge_index):
    src = edge_index[0]
    dst = edge_index[1]
    npad = EPAD - E
    src_p = jnp.concatenate(
        [src, jnp.zeros((npad,), jnp.int32)]).reshape(NW, NCH, CH)
    dst_p = jnp.concatenate(
        [dst, jnp.full((npad,), N, jnp.int32)]).reshape(NW, NCH, CH)

    degs = _deg_kernel(dst).reshape(NC, NPAD, 1)

    u1, dinv = _proj1(x, W1, degs)

    s1 = _spmm_kernel(u1, src_p, dst_p)
    wcat = jnp.concatenate([Wmu, Wls], axis=1)
    u2 = _enc(s1, u1, dinv, b1.reshape(1, DH), wcat)

    s2 = _spmm_kernel(u2, src_p, dst_p)
    bcat = jnp.concatenate([bmu, bls]).reshape(1, DH)
    eps = jax.random.normal(jax.random.key(42), (N, DL), dtype=jnp.float32)
    mu, logstd, z = _head(s2, u2, dinv, bcat, eps)
    adj = _decoder(z, z)
    return adj, mu, logstd

# --- scband reference (transcript-rebuilt; emitter-appended) ---
"""Pipeline reference for scband-vgae-11218454577549 (READ-ONLY COPY).

The authoritative reference and input builder live on the scoring server;
editing this copy changes nothing except your own understanding.
"""

import jax, jax.numpy as jnp
import numpy as np

N_NODES = 10000
N_EDGES = 160000
N_INPUT = 128
N_HIDDEN = 32
N_LATENT = 16


def gcn_conv(x, edge_index, W, b, n_nodes):
    # PyG-style GCNConv: x' = D^-1/2 (A + I) D^-1/2 (x W) + b
    x = x @ W
    src = edge_index[0]
    dst = edge_index[1]
    loop = jnp.arange(n_nodes, dtype=src.dtype)
    src = jnp.concatenate([src, loop])
    dst = jnp.concatenate([dst, loop])
    deg = jnp.zeros((n_nodes,), dtype=x.dtype).at[dst].add(1.0)
    dinv = jnp.where(deg > 0, 1.0 / jnp.sqrt(deg), 0.0)
    norm = dinv[src] * dinv[dst]
    msg = x[src] * norm[:, None]
    out = jnp.zeros((n_nodes, x.shape[1]), dtype=x.dtype).at[dst].add(msg)
    return out + b


def setup_inputs(seed: int = 0) -> dict:
    key = jax.random.key(seed)
    ks = jax.random.split(key, 8)
    x = jax.random.normal(ks[0], (N_NODES, N_INPUT), dtype=jnp.float32)
    edge_index = jax.random.randint(ks[1], (2, N_EDGES), 0, N_NODES, dtype=jnp.int32)
    W1 = jax.random.normal(ks[2], (N_INPUT, N_HIDDEN), dtype=jnp.float32) * 0.1
    b1 = jnp.zeros((N_HIDDEN,), dtype=jnp.float32)
    Wmu = jax.random.normal(ks[3], (N_HIDDEN, N_LATENT), dtype=jnp.float32) * 0.1
    bmu = jnp.zeros((N_LATENT,), dtype=jnp.float32)
    Wls = jax.random.normal(ks[4], (N_HIDDEN, N_LATENT), dtype=jnp.float32) * 0.1
    bls = jnp.zeros((N_LATENT,), dtype=jnp.float32)
    return {"x": x, "W1": W1, "b1": b1, "Wmu": Wmu, "bmu": bmu, "Wls": Wls, "bls": bls, "edge_index": edge_index}


def reference(x, W1, b1, Wmu, bmu, Wls, bls, edge_index):
    n = x.shape[0]
    # GCNEncoder: shared hidden GCN layer (dropout_rate=0.0 -> identity) then mu/logstd heads
    h = jax.nn.relu(gcn_conv(x, edge_index, W1, b1, n))
    mu = gcn_conv(h, edge_index, Wmu, bmu, n)
    logstd = gcn_conv(h, edge_index, Wls, bls, n)
    # reparameterize: z = mu + eps * exp(logstd), eps fixed for determinism
    eps = jax.random.normal(jax.random.key(42), mu.shape, dtype=mu.dtype)
    z = mu + eps * jnp.exp(logstd)
    # DotProductGraphDecoder: adjacency reconstruction logits = z z^T
    adj_recon_logits = z @ z.T
    return (adj_recon_logits, mu, logstd)

if __name__ == "__main__":
    import jax
    _d = setup_inputs()
    print(jax.jit(kernel)(*tuple(_d.values())))

</pallas_src>

<mosaic_0001>
#map = affine_map<(d0, d1) -> (0)>
#map1 = affine_map<(d0, d1) -> (0, 0)>
module attributes {stable_mosaic.version = 14 : i64} {
  func.func @_deg_kernel(%arg0: i32, %arg1: i32, %arg2: memref<160000xi32, #tpu.memory_space<hbm>>, %arg3: memref<2x10240xf32, #tpu.memory_space<hbm>>, %arg4: memref<5016xi32, #tpu.memory_space<vmem>>, %arg5: memref<10240xf32, #tpu.memory_space<vmem>>, %arg6: memref<16x640xf32, #tpu.memory_space<vmem>>, %arg7: memref<640xf32, #tpu.memory_space<vmem>>, %arg8: memref<16x10240xf32, #tpu.memory_space<vmem_shared>>, %arg9: memref<!tpu.dma_semaphore, #tpu.memory_space<semaphore_mem>>) attributes {dimension_semantics = [#tpu.dimension_semantics<core_parallel>, #tpu.dimension_semantics<subcore_parallel>], iteration_bounds = array<i64: 2, 16>, scalar_prefetch = 0 : i64, scratch_operands = 6 : i64, tpu.core_type = #tpu.core_type<sc_vector_subcore>, window_params = [{transform_indices = #map}, {transform_indices = #map1}]} {
    %mul3A = arith.constant 16 : i32
    %mul3A_0 = arith.muli %arg0, %mul3A : i32
    %add3A = arith.addi %mul3A_0, %arg1 : i32
    %mul3A_1 = arith.constant 5000 : i32
    %mul3A_2 = arith.muli %add3A, %mul3A_1 : i32
    %dma_start3A = arith.constant 0 : i32
    %dma_start3A_3 = tpu.memref_slice %arg4[%dma_start3A] : memref<5016xi32, #tpu.memory_space<vmem>> -> memref<5000xi32, #tpu.memory_space<vmem>>
    %dma_start3A_4 = tpu.memref_slice %arg2[%mul3A_2] : memref<160000xi32, #tpu.memory_space<hbm>> -> memref<5000xi32, #tpu.memory_space<hbm>>
    %dma_start3A_5 = arith.constant 0 : i32
    %dma_start3A_6 = tpu.memref_slice %arg4[%dma_start3A_5] : memref<5016xi32, #tpu.memory_space<vmem>> -> memref<5000xi32, #tpu.memory_space<vmem>>
    %dma_start3A_7 = tpu.memref_slice %arg2[%mul3A_2] : memref<160000xi32, #tpu.memory_space<hbm>> -> memref<5000xi32, #tpu.memory_space<hbm>>
    tpu.enqueue_dma source(%dma_start3A_7 : memref<5000xi32, #tpu.memory_space<hbm>>) target(%dma_start3A_6 : memref<5000xi32, #tpu.memory_space<vmem>>) target_semaphore(%arg9 : memref<!tpu.dma_semaphore, #tpu.memory_space<semaphore_mem>>)
    %broadcast_in_dim3A = arith.constant 0.000000e+00 : f32
    %broadcast_in_dim3A_8 = vector.broadcast %broadcast_in_dim3A : f32 to vector<16xf32>
    %broadcast_in_dim3A_9 = arith.constant 1.000000e+00 : f32
    %broadcast_in_dim3A_10 = vector.broadcast %broadcast_in_dim3A_9 : f32 to vector<16xf32>
    %scan3A = arith.constant 0 : i32
    %scan3A_11 = arith.constant 640 : i32
    %scan3A_12 = arith.addi %scan3A, %scan3A_11 : i32
    %scan3A_13 = arith.constant 1 : i32
    scf.for %scan3A_38 = %scan3A to %scan3A_12 step %scan3A_13  : i32 {
      %mul3A_39 = arith.constant 16 : i32
      %mul3A_40 = arith.muli %scan3A_38, %mul3A_39 : i32
      %swap3A = arith.index_cast %mul3A_40 : i32 to index
      %swap3A_41 = tpu.vector_load %arg5[%swap3A] {strides = array<i32>} : memref<10240xf32, #tpu.memory_space<vmem>>, vector<16xf32>,
      tpu.vector_store %arg5[%swap3A], %broadcast_in_dim3A_8 {strides = array<i32>} : memref<10240xf32, #tpu.memory_space<vmem>>, vector<16xf32>,
    }
    %scan3A_14 = arith.constant 640 : i32
    %mul3A_15 = arith.constant 5000 : i32
    %mul3A_16 = arith.muli %add3A, %mul3A_15 : i32
    %dma_wait3A = arith.constant 0 : i32
    %dma_wait3A_17 = tpu.memref_slice %arg4[%dma_wait3A] : memref<5016xi32, #tpu.memory_space<vmem>> -> memref<5000xi32, #tpu.memory_space<vmem>>
    %dma_wait3A_18 = tpu.memref_slice %arg2[%mul3A_16] : memref<160000xi32, #tpu.memory_space<hbm>> -> memref<5000xi32, #tpu.memory_space<hbm>>
    %dma_wait3A_19 = arith.constant 0 : i32
    %dma_wait3A_20 = tpu.memref_slice %arg4[%dma_wait3A_19] : memref<5016xi32, #tpu.memory_space<vmem>> -> memref<5000xi32, #tpu.memory_space<vmem>>
    %dma_wait3A_21 = tpu.memref_slice %arg2[%mul3A_16] : memref<160000xi32, #tpu.memory_space<hbm>> -> memref<5000xi32, #tpu.memory_space<hbm>>
    tpu.wait_dma2 semaphore(%arg9 : memref<!tpu.dma_semaphore, #tpu.memory_space<semaphore_mem>>) src(%dma_wait3A_21 : memref<5000xi32, #tpu.memory_space<hbm>>) dst(%dma_wait3A_20 : memref<5000xi32, #tpu.memory_space<vmem>>)
    %scan3A_22 = arith.constant 0 : i32
    %scan3A_23 = arith.constant 312 : i32
    %scan3A_24 = arith.addi %scan3A_22, %scan3A_23 : i32
    %scan3A_25 = arith.constant 1 : i32
    scf.for %scan3A_38 = %scan3A_22 to %scan3A_24 step %scan3A_25  : i32 {
      %mul3A_39 = arith.constant 16 : i32
      %mul3A_40 = arith.muli %scan3A_38, %mul3A_39 : i32
      %get3A_41 = arith.index_cast %mul3A_40 : i32 to index
      %get3A_42 = tpu.vector_load %arg4[%get3A_41] {strides = array<i32>} : memref<5016xi32, #tpu.memory_space<vmem>>, vector<16xi32>,
      tpu.vector_store_idx %arg5[%get3A_42], %broadcast_in_dim3A_10 {add = true} : memref<10240xf32, #tpu.memory_space<vmem>>[vector<16xi32>], vector<16xf32>,
    }
    %scan3A_26 = arith.constant 312 : i32
    %get3A = arith.constant 4992 : index
    %get3A_27 = tpu.vector_load %arg4[%get3A] {strides = array<i32>} : memref<5016xi32, #tpu.memory_space<vmem>>, vector<16xi32>,
    %iota3A = tpu.iota {dimensions = array<i32: 0>} : vector<16xi32>
    %lt3A = arith.constant 8 : i32
    %lt3A_28 = vector.broadcast %lt3A : i32 to vector<16xi32>
    %lt3A_29 = arith.cmpi slt, %iota3A, %lt3A_28 : vector<16xi32>
    %jit3A = arith.constant 10000 : i32
    %broadcast_in_dim3A_30 = vector.broadcast %jit3A : i32 to vector<16xi32>
    %select_n3A = arith.select %lt3A_29, %get3A_27, %broadcast_in_dim3A_30 : vector<16xi1>, vector<16xi32>
    tpu.vector_store_idx %arg5[%select_n3A], %broadcast_in_dim3A_10 {add = true} : memref<10240xf32, #tpu.memory_space<vmem>>[vector<16xi32>], vector<16xf32>,
    "tpu.region"() ({
      %run_scoped3A = tpu.sem_alloc : memref<!tpu.dma_semaphore, #tpu.memory_space<semaphore_mem>>
      %dma_start3A_38 = arith.constant 0 : i32
      %dma_start3A_39 = tpu.memref_slice %arg8[%arg1, %dma_start3A_38] : memref<16x10240xf32, #tpu.memory_space<vmem_shared>> -> memref<1x10240xf32, #tpu.memory_space<vmem_shared>>
      %dma_start3A_40 = tpu.memref_squeeze %dma_start3A_39 : memref<1x10240xf32, #tpu.memory_space<vmem_shared>> -> memref<10240xf32, #tpu.memory_space<vmem_shared>>
      %dma_start3A_41 = arith.constant 0 : i32
      %dma_start3A_42 = tpu.memref_slice %arg8[%arg1, %dma_start3A_41] : memref<16x10240xf32, #tpu.memory_space<vmem_shared>> -> memref<1x10240xf32, #tpu.memory_space<vmem_shared>>
      %dma_start3A_43 = tpu.memref_squeeze %dma_start3A_42 : memref<1x10240xf32, #tpu.memory_space<vmem_shared>> -> memref<10240xf32, #tpu.memory_space<vmem_shared>>
      tpu.enqueue_dma source(%arg5 : memref<10240xf32, #tpu.memory_space<vmem>>) target(%dma_start3A_43 : memref<10240xf32, #tpu.memory_space<vmem_shared>>) target_semaphore(%run_scoped3A : memref<!tpu.dma_semaphore, #tpu.memory_space<semaphore_mem>>)
      %dma_wait3A_44 = arith.constant 0 : i32
      %dma_wait3A_45 = tpu.memref_slice %arg8[%arg1, %dma_wait3A_44] : memref<16x10240xf32, #tpu.memory_space<vmem_shared>> -> memref<1x10240xf32, #tpu.memory_space<vmem_shared>>
      %dma_wait3A_46 = tpu.memref_squeeze %dma_wait3A_45 : memref<1x10240xf32, #tpu.memory_space<vmem_shared>> -> memref<10240xf32, #tpu.memory_space<vmem_shared>>
      %dma_wait3A_47 = arith.constant 0 : i32
      %dma_wait3A_48 = tpu.memref_slice %arg8[%arg1, %dma_wait3A_47] : memref<16x10240xf32, #tpu.memory_space<vmem_shared>> -> memref<1x10240xf32, #tpu.memory_space<vmem_shared>>
      %dma_wait3A_49 = tpu.memref_squeeze %dma_wait3A_48 : memref<1x10240xf32, #tpu.memory_space<vmem_shared>> -> memref<10240xf32, #tpu.memory_space<vmem_shared>>
      tpu.wait_dma2 semaphore(%run_scoped3A : memref<!tpu.dma_semaphore, #tpu.memory_space<semaphore_mem>>) src(%arg5 : memref<10240xf32, #tpu.memory_space<vmem>>) dst(%dma_wait3A_49 : memref<10240xf32, #tpu.memory_space<vmem_shared>>)
      tpu.yield
    }) : () -> ()
    %barrier3A = arith.constant 0 : index
    tpu.barrier barrier_id(%barrier3A)
    %mul3A_31 = arith.constant 640 : i32
    %mul3A_32 = arith.muli %arg1, %mul3A_31 : i32
    "tpu.region"() ({
      %run_scoped3A = tpu.sem_alloc : memref<!tpu.dma_semaphore, #tpu.memory_space<semaphore_mem>>
      %dma_start3A_38 = arith.constant 0 : i32
      %dma_start3A_39 = tpu.memref_slice %arg8[%dma_start3A_38, %mul3A_32] : memref<16x10240xf32, #tpu.memory_space<vmem_shared>> -> memref<16x640xf32, #tpu.memory_space<vmem_shared>>
      %dma_start3A_40 = arith.constant 0 : i32
      %dma_start3A_41 = tpu.memref_slice %arg8[%dma_start3A_40, %mul3A_32] : memref<16x10240xf32, #tpu.memory_space<vmem_shared>> -> memref<16x640xf32, #tpu.memory_space<vmem_shared>>
      tpu.enqueue_dma source(%dma_start3A_41 : memref<16x640xf32, #tpu.memory_space<vmem_shared>>) target(%arg6 : memref<16x640xf32, #tpu.memory_space<vmem>>) target_semaphore(%run_scoped3A : memref<!tpu.dma_semaphore, #tpu.memory_space<semaphore_mem>>)
      %dma_wait3A_42 = arith.constant 0 : i32
      %dma_wait3A_43 = tpu.memref_slice %arg8[%dma_wait3A_42, %mul3A_32] : memref<16x10240xf32, #tpu.memory_space<vmem_shared>> -> memref<16x640xf32, #tpu.memory_space<vmem_shared>>
      %dma_wait3A_44 = arith.constant 0 : i32
      %dma_wait3A_45 = tpu.memref_slice %arg8[%dma_wait3A_44, %mul3A_32] : memref<16x10240xf32, #tpu.memory_space<vmem_shared>> -> memref<16x640xf32, #tpu.memory_space<vmem_shared>>
      tpu.wait_dma2 semaphore(%run_scoped3A : memref<!tpu.dma_semaphore, #tpu.memory_space<semaphore_mem>>) src(%dma_wait3A_45 : memref<16x640xf32, #tpu.memory_space<vmem_shared>>) dst(%arg6 : memref<16x640xf32, #tpu.memory_space<vmem>>)
      tpu.yield
    }) : () -> ()
    %scan3A_33 = arith.constant 0 : i32
    %scan3A_34 = arith.constant 40 : i32
    %scan3A_35 = arith.addi %scan3A_33, %scan3A_34 : i32
    %scan3A_36 = arith.constant 1 : i32
    scf.for %scan3A_38 = %scan3A_33 to %scan3A_35 step %scan3A_36  : i32 {
      %mul3A_39 = arith.constant 16 : i32
      %mul3A_40 = arith.muli %scan3A_38, %mul3A_39 : i32
      %get3A_41 = arith.constant 0 : i32
      %get3A_42 = arith.index_cast %get3A_41 : i32 to index
      %get3A_43 = arith.index_cast %mul3A_40 : i32 to index
      %get3A_44 = tpu.vector_load %arg6[%get3A_42, %get3A_43] {strides = array<i32>} : memref<16x640xf32, #tpu.memory_space<vmem>>, vector<16xf32>,
      %mul3A_45 = arith.constant 16 : i32
      %mul3A_46 = arith.muli %scan3A_38, %mul3A_45 : i32
      %get3A_47 = arith.constant 1 : i32
      %get3A_48 = arith.index_cast %get3A_47 : i32 to index
      %get3A_49 = arith.index_cast %mul3A_46 : i32 to index
      %get3A_50 = tpu.vector_load %arg6[%get3A_48, %get3A_49] {strides = array<i32>} : memref<16x640xf32, #tpu.memory_space<vmem>>, vector<16xf32>,
      %add3A_51 = arith.addf %get3A_44, %get3A_50 : vector<16xf32>
      %mul3A_52 = arith.constant 16 : i32
      %mul3A_53 = arith.muli %scan3A_38, %mul3A_52 : i32
      %get3A_54 = arith.constant 2 : i32
      %get3A_55 = arith.index_cast %get3A_54 : i32 to index
      %get3A_56 = arith.index_cast %mul3A_53 : i32 to index
      %get3A_57 = tpu.vector_load %arg6[%get3A_55, %get3A_56] {strides = array<i32>} : memref<16x640xf32, #tpu.memory_space<vmem>>, vector<16xf32>,
      %add3A_58 = arith.addf %add3A_51, %get3A_57 : vector<16xf32>
      %mul3A_59 = arith.constant 16 : i32
      %mul3A_60 = arith.muli %scan3A_38, %mul3A_59 : i32
      %get3A_61 = arith.constant 3 : i32
      %get3A_62 = arith.index_cast %get3A_61 : i32 to index
      %get3A_63 = arith.index_cast %mul3A_60 : i32 to index
      %get3A_64 = tpu.vector_load %arg6[%get3A_62, %get3A_63] {strides = array<i32>} : memref<16x640xf32, #tpu.memory_space<vmem>>, vector<16xf32>,
      %add3A_65 = arith.addf %add3A_58, %get3A_64 : vector<16xf32>
      %mul3A_66 = arith.constant 16 : i32
      %mul3A_67 = arith.muli %scan3A_38, %mul3A_66 : i32
      %get3A_68 = arith.constant 4 : i32
      %get3A_69 = arith.index_cast %get3A_68 : i32 to index
      %get3A_70 = arith.index_cast %mul3A_67 : i32 to index
      %get3A_71 = tpu.vector_load %arg6[%get3A_69, %get3A_70] {strides = array<i32>} : memref<16x640xf32, #tpu.memory_space<vmem>>, vector<16xf32>,
      %add3A_72 = arith.addf %add3A_65, %get3A_71 : vector<16xf32>
      %mul3A_73 = arith.constant 16 : i32
      %mul3A_74 = arith.muli %scan3A_38, %mul3A_73 : i32
      %get3A_75 = arith.constant 5 : i32
      %get3A_76 = arith.index_cast %get3A_75 : i32 to index
      %get3A_77 = arith.index_cast %mul3A_74 : i32 to index
      %get3A_78 = tpu.vector_load %arg6[%get3A_76, %get3A_77] {strides = array<i32>} : memref<16x640xf32, #tpu.memory_space<vmem>>, vector<16xf32>,
      %add3A_79 = arith.addf %add3A_72, %get3A_78 : vector<16xf32>
      %mul3A_80 = arith.constant 16 : i32
      %mul3A_81 = arith.muli %scan3A_38, %mul3A_80 : i32
      %get3A_82 = arith.constant 6 : i32
      %get3A_83 = arith.index_cast %get3A_82 : i32 to index
      %get3A_84 = arith.index_cast %mul3A_81 : i32 to index
      %get3A_85 = tpu.vector_load %arg6[%get3A_83, %get3A_84] {strides = array<i32>} : memref<16x640xf32, #tpu.memory_space<vmem>>, vector<16xf32>,
      %add3A_86 = arith.addf %add3A_79, %get3A_85 : vector<16xf32>
      %mul3A_87 = arith.constant 16 : i32
      %mul3A_88 = arith.muli %scan3A_38, %mul3A_87 : i32
      %get3A_89 = arith.constant 7 : i32
      %get3A_90 = arith.index_cast %get3A_89 : i32 to index
      %get3A_91 = arith.index_cast %mul3A_88 : i32 to index
      %get3A_92 = tpu.vector_load %arg6[%get3A_90, %get3A_91] {strides = array<i32>} : memref<16x640xf32, #tpu.memory_space<vmem>>, vector<16xf32>,
      %add3A_93 = arith.addf %add3A_86, %get3A_92 : vector<16xf32>
      %mul3A_94 = arith.constant 16 : i32
      %mul3A_95 = arith.muli %scan3A_38, %mul3A_94 : i32
      %get3A_96 = arith.constant 8 : i32
      %get3A_97 = arith.index_cast %get3A_96 : i32 to index
      %get3A_98 = arith.index_cast %mul3A_95 : i32 to index
      %get3A_99 = tpu.vector_load %arg6[%get3A_97, %get3A_98] {strides = array<i32>} : memref<16x640xf32, #tpu.memory_space<vmem>>, vector<16xf32>,
      %add3A_100 = arith.addf %add3A_93, %get3A_99 : vector<16xf32>
      %mul3A_101 = arith.constant 16 : i32
      %mul3A_102 = arith.muli %scan3A_38, %mul3A_101 : i32
      %get3A_103 = arith.constant 9 : i32
      %get3A_104 = arith.index_cast %get3A_103 : i32 to index
      %get3A_105 = arith.index_cast %mul3A_102 : i32 to index
      %get3A_106 = tpu.vector_load %arg6[%get3A_104, %get3A_105] {strides = array<i32>} : memref<16x640xf32, #tpu.memory_space<vmem>>, vector<16xf32>,
      %add3A_107 = arith.addf %add3A_100, %get3A_106 : vector<16xf32>
      %mul3A_108 = arith.constant 16 : i32
      %mul3A_109 = arith.muli %scan3A_38, %mul3A_108 : i32
      %get3A_110 = arith.constant 10 : i32
      %get3A_111 = arith.index_cast %get3A_110 : i32 to index
      %get3A_112 = arith.index_cast %mul3A_109 : i32 to index
      %get3A_113 = tpu.vector_load %arg6[%get3A_111, %get3A_112] {strides = array<i32>} : memref<16x640xf32, #tpu.memory_space<vmem>>, vector<16xf32>,
      %add3A_114 = arith.addf %add3A_107, %get3A_113 : vector<16xf32>
      %mul3A_115 = arith.constant 16 : i32
      %mul3A_116 = arith.muli %scan3A_38, %mul3A_115 : i32
      %get3A_117 = arith.constant 11 : i32
      %get3A_118 = arith.index_cast %get3A_117 : i32 to index
      %get3A_119 = arith.index_cast %mul3A_116 : i32 to index
      %get3A_120 = tpu.vector_load %arg6[%get3A_118, %get3A_119] {strides = array<i32>} : memref<16x640xf32, #tpu.memory_space<vmem>>, vector<16xf32>,
      %add3A_121 = arith.addf %add3A_114, %get3A_120 : vector<16xf32>
      %mul3A_122 = arith.constant 16 : i32
      %mul3A_123 = arith.muli %scan3A_38, %mul3A_122 : i32
      %get3A_124 = arith.constant 12 : i32
      %get3A_125 = arith.index_cast %get3A_124 : i32 to index
      %get3A_126 = arith.index_cast %mul3A_123 : i32 to index
      %get3A_127 = tpu.vector_load %arg6[%get3A_125, %get3A_126] {strides = array<i32>} : memref<16x640xf32, #tpu.memory_space<vmem>>, vector<16xf32>,
      %add3A_128 = arith.addf %add3A_121, %get3A_127 : vector<16xf32>
      %mul3A_129 = arith.constant 16 : i32
      %mul3A_130 = arith.muli %scan3A_38, %mul3A_129 : i32
      %get3A_131 = arith.constant 13 : i32
      %get3A_132 = arith.index_cast %get3A_131 : i32 to index
      %get3A_133 = arith.index_cast %mul3A_130 : i32 to index
      %get3A_134 = tpu.vector_load %arg6[%get3A_132, %get3A_133] {strides = array<i32>} : memref<16x640xf32, #tpu.memory_space<vmem>>, vector<16xf32>,
      %add3A_135 = arith.addf %add3A_128, %get3A_134 : vector<16xf32>
      %mul3A_136 = arith.constant 16 : i32
      %mul3A_137 = arith.muli %scan3A_38, %mul3A_136 : i32
      %get3A_138 = arith.constant 14 : i32
      %get3A_139 = arith.index_cast %get3A_138 : i32 to index
      %get3A_140 = arith.index_cast %mul3A_137 : i32 to index
      %get3A_141 = tpu.vector_load %arg6[%get3A_139, %get3A_140] {strides = array<i32>} : memref<16x640xf32, #tpu.memory_space<vmem>>, vector<16xf32>,
      %add3A_142 = arith.addf %add3A_135, %get3A_141 : vector<16xf32>
      %mul3A_143 = arith.constant 16 : i32
      %mul3A_144 = arith.muli %scan3A_38, %mul3A_143 : i32
      %get3A_145 = arith.constant 15 : i32
      %get3A_146 = arith.index_cast %get3A_145 : i32 to index
      %get3A_147 = arith.index_cast %mul3A_144 : i32 to index
      %get3A_148 = tpu.vector_load %arg6[%get3A_146, %get3A_147] {strides = array<i32>} : memref<16x640xf32, #tpu.memory_space<vmem>>, vector<16xf32>,
      %add3A_149 = arith.addf %add3A_142, %get3A_148 : vector<16xf32>
      %mul3A_150 = arith.constant 16 : i32
      %mul3A_151 = arith.muli %scan3A_38, %mul3A_150 : i32
      %swap3A = arith.index_cast %mul3A_151 : i32 to index
      %swap3A_152 = tpu.vector_load %arg7[%swap3A] {strides = array<i32>} : memref<640xf32, #tpu.memory_space<vmem>>, vector<16xf32>,
      tpu.vector_store %arg7[%swap3A], %add3A_149 {strides = array<i32>} : memref<640xf32, #tpu.memory_space<vmem>>, vector<16xf32>,
    }
    %scan3A_37 = arith.constant 40 : i32
    "tpu.region"() ({
      %run_scoped3A = tpu.sem_alloc : memref<!tpu.dma_semaphore, #tpu.memory_space<semaphore_mem>>
      %dma_start3A_38 = tpu.memref_slice %arg3[%arg0, %mul3A_32] : memref<2x10240xf32, #tpu.memory_space<hbm>> -> memref<1x640xf32, #tpu.memory_space<hbm>>
      %dma_start3A_39 = tpu.memref_squeeze %dma_start3A_38 : memref<1x640xf32, #tpu.memory_space<hbm>> -> memref<640xf32, #tpu.memory_space<hbm>>
      %dma_start3A_40 = tpu.memref_slice %arg3[%arg0, %mul3A_32] : memref<2x10240xf32, #tpu.memory_space<hbm>> -> memref<1x640xf32, #tpu.memory_space<hbm>>
      %dma_start3A_41 = tpu.memref_squeeze %dma_start3A_40 : memref<1x640xf32, #tpu.memory_space<hbm>> -> memref<640xf32, #tpu.memory_space<hbm>>
      tpu.enqueue_dma source(%arg7 : memref<640xf32, #tpu.memory_space<vmem>>) target(%dma_start3A_41 : memref<640xf32, #tpu.memory_space<hbm>>) target_semaphore(%run_scoped3A : memref<!tpu.dma_semaphore, #tpu.memory_space<semaphore_mem>>)
      %dma_wait3A_42 = tpu.memref_slice %arg3[%arg0, %mul3A_32] : memref<2x10240xf32, #tpu.memory_space<hbm>> -> memref<1x640xf32, #tpu.memory_space<hbm>>
      %dma_wait3A_43 = tpu.memref_squeeze %dma_wait3A_42 : memref<1x640xf32, #tpu.memory_space<hbm>> -> memref<640xf32, #tpu.memory_space<hbm>>
      %dma_wait3A_44 = tpu.memref_slice %arg3[%arg0, %mul3A_32] : memref<2x10240xf32, #tpu.memory_space<hbm>> -> memref<1x640xf32, #tpu.memory_space<hbm>>
      %dma_wait3A_45 = tpu.memref_squeeze %dma_wait3A_44 : memref<1x640xf32, #tpu.memory_space<hbm>> -> memref<640xf32, #tpu.memory_space<hbm>>
      tpu.wait_dma2 semaphore(%run_scoped3A : memref<!tpu.dma_semaphore, #tpu.memory_space<semaphore_mem>>) src(%arg7 : memref<640xf32, #tpu.memory_space<vmem>>) dst(%dma_wait3A_45 : memref<640xf32, #tpu.memory_space<hbm>>)
      tpu.yield
    }) : () -> ()
    return
  }
}

#map = affine_map<(d0, d1) -> (0, 0)>
#map1 = affine_map<(d0, d1) -> (0, 0, 0)>
module attributes {stable_mosaic.version = 14 : i64} {
  func.func @_spmm_kernel(%arg0: i32, %arg1: i32, %arg2: memref<10000x32xf32, #tpu.memory_space<hbm>>, %arg3: memref<32x40x128xi32, #tpu.memory_space<hbm>>, %arg4: memref<32x40x128xi32, #tpu.memory_space<hbm>>, %arg5: memref<2x10240x32xf32, #tpu.memory_space<hbm>>, %arg6: memref<40x128xi32, #tpu.memory_space<vmem>>, %arg7: memref<40x128xi32, #tpu.memory_space<vmem>>, %arg8: memref<128x32xf32, #tpu.memory_space<vmem>>, %arg9: memref<128x32xf32, #tpu.memory_space<vmem>>, %arg10: memref<640x32xf32, #tpu.memory_space<vmem>>, %arg11: memref<10240x32xf32, #tpu.memory_space<vmem_shared>>, %arg12: memref<!tpu.dma_semaphore, #tpu.memory_space<semaphore_mem>>, %arg13: memref<!tpu.dma_semaphore, #tpu.memory_space<semaphore_mem>>, %arg14: memref<!tpu.dma_semaphore, #tpu.memory_space<semaphore_mem>>) attributes {dimension_semantics = [#tpu.dimension_semantics<core_parallel>, #tpu.dimension_semantics<subcore_parallel>], iteration_bounds = array<i64: 2, 16>, scalar_prefetch = 0 : i64, scratch_operands = 9 : i64, tpu.core_type = #tpu.core_type<sc_vector_subcore>, window_params = [{transform_indices = #map}, {transform_indices = #map1}, {transform_indices = #map1}, {transform_indices = #map1}]} {
    %mul3A = arith.constant 16 : i32
    %mul3A_0 = arith.muli %arg0, %mul3A : i32
    %add3A = arith.addi %mul3A_0, %arg1 : i32
    %dma_start3A = arith.constant 0 : i32
    %dma_start3A_1 = arith.constant 0 : i32
    %dma_start3A_2 = tpu.memref_slice %arg3[%add3A, %dma_start3A, %dma_start3A_1] : memref<32x40x128xi32, #tpu.memory_space<hbm>> -> memref<1x40x128xi32, #tpu.memory_space<hbm>>
    %dma_start3A_3 = tpu.memref_squeeze %dma_start3A_2 : memref<1x40x128xi32, #tpu.memory_space<hbm>> -> memref<40x128xi32, #tpu.memory_space<hbm>>
    %dma_start3A_4 = arith.constant 0 : i32
    %dma_start3A_5 = arith.constant 0 : i32
    %dma_start3A_6 = tpu.memref_slice %arg3[%add3A, %dma_start3A_4, %dma_start3A_5] : memref<32x40x128xi32, #tpu.memory_space<hbm>> -> memref<1x40x128xi32, #tpu.memory_space<hbm>>
    %dma_start3A_7 = tpu.memref_squeeze %dma_start3A_6 : memref<1x40x128xi32, #tpu.memory_space<hbm>> -> memref<40x128xi32, #tpu.memory_space<hbm>>
    tpu.enqueue_dma source(%dma_start3A_7 : memref<40x128xi32, #tpu.memory_space<hbm>>) target(%arg6 : memref<40x128xi32, #tpu.memory_space<vmem>>) target_semaphore(%arg14 : memref<!tpu.dma_semaphore, #tpu.memory_space<semaphore_mem>>)
    %dma_start3A_8 = arith.constant 0 : i32
    %dma_start3A_9 = arith.constant 0 : i32
    %dma_start3A_10 = tpu.memref_slice %arg4[%add3A, %dma_start3A_8, %dma_start3A_9] : memref<32x40x128xi32, #tpu.memory_space<hbm>> -> memref<1x40x128xi32, #tpu.memory_space<hbm>>
    %dma_start3A_11 = tpu.memref_squeeze %dma_start3A_10 : memref<1x40x128xi32, #tpu.memory_space<hbm>> -> memref<40x128xi32, #tpu.memory_space<hbm>>
    %dma_start3A_12 = arith.constant 0 : i32
    %dma_start3A_13 = arith.constant 0 : i32
    %dma_start3A_14 = tpu.memref_slice %arg4[%add3A, %dma_start3A_12, %dma_start3A_13] : memref<32x40x128xi32, #tpu.memory_space<hbm>> -> memref<1x40x128xi32, #tpu.memory_space<hbm>>
    %dma_start3A_15 = tpu.memref_squeeze %dma_start3A_14 : memref<1x40x128xi32, #tpu.memory_space<hbm>> -> memref<40x128xi32, #tpu.memory_space<hbm>>
    tpu.enqueue_dma source(%dma_start3A_15 : memref<40x128xi32, #tpu.memory_space<hbm>>) target(%arg7 : memref<40x128xi32, #tpu.memory_space<vmem>>) target_semaphore(%arg14 : memref<!tpu.dma_semaphore, #tpu.memory_space<semaphore_mem>>)
    %broadcast_in_dim3A = arith.constant 0.000000e+00 : f32
    %broadcast_in_dim3A_16 = vector.broadcast %broadcast_in_dim3A : f32 to vector<16xf32>
    %scan3A = arith.constant 0 : i32
    %scan3A_17 = arith.constant 640 : i32
    %scan3A_18 = arith.addi %scan3A, %scan3A_17 : i32
    %scan3A_19 = arith.constant 1 : i32
    scf.for %scan3A_62 = %scan3A to %scan3A_18 step %scan3A_19  : i32 {
      %swap3A = arith.index_cast %scan3A_62 : i32 to index
      %swap3A_63 = arith.constant 0 : index
      %swap3A_64 = tpu.vector_load %arg10[%swap3A, %swap3A_63] {strides = array<i32>} : memref<640x32xf32, #tpu.memory_space<vmem>>, vector<16xf32>,
      tpu.vector_store %arg10[%swap3A, %swap3A_63], %broadcast_in_dim3A_16 {strides = array<i32>} : memref<640x32xf32, #tpu.memory_space<vmem>>, vector<16xf32>,
      %swap3A_65 = arith.index_cast %scan3A_62 : i32 to index
      %swap3A_66 = arith.constant 16 : index
      %swap3A_67 = tpu.vector_load %arg10[%swap3A_65, %swap3A_66] {strides = array<i32>} : memref<640x32xf32, #tpu.memory_space<vmem>>, vector<16xf32>,
      tpu.vector_store %arg10[%swap3A_65, %swap3A_66], %broadcast_in_dim3A_16 {strides = array<i32>} : memref<640x32xf32, #tpu.memory_space<vmem>>, vector<16xf32>,
    }
    %scan3A_20 = arith.constant 640 : i32
    %mul3A_21 = arith.constant 640 : i32
    %mul3A_22 = arith.muli %arg1, %mul3A_21 : i32
    "tpu.region"() ({
      %run_scoped3A = tpu.sem_alloc : memref<!tpu.dma_semaphore, #tpu.memory_space<semaphore_mem>>
      %dma_start3A_62 = arith.constant 0 : i32
      %dma_start3A_63 = tpu.memref_slice %arg11[%mul3A_22, %dma_start3A_62] : memref<10240x32xf32, #tpu.memory_space<vmem_shared>> -> memref<640x32xf32, #tpu.memory_space<vmem_shared>>
      %dma_start3A_64 = arith.constant 0 : i32
      %dma_start3A_65 = tpu.memref_slice %arg11[%mul3A_22, %dma_start3A_64] : memref<10240x32xf32, #tpu.memory_space<vmem_shared>> -> memref<640x32xf32, #tpu.memory_space<vmem_shared>>
      tpu.enqueue_dma source(%arg10 : memref<640x32xf32, #tpu.memory_space<vmem>>) target(%dma_start3A_65 : memref<640x32xf32, #tpu.memory_space<vmem_shared>>) target_semaphore(%run_scoped3A : memref<!tpu.dma_semaphore, #tpu.memory_space<semaphore_mem>>)
      %dma_wait3A_66 = arith.constant 0 : i32
      %dma_wait3A_67 = tpu.memref_slice %arg11[%mul3A_22, %dma_wait3A_66] : memref<10240x32xf32, #tpu.memory_space<vmem_shared>> -> memref<640x32xf32, #tpu.memory_space<vmem_shared>>
      %dma_wait3A_68 = arith.constant 0 : i32
      %dma_wait3A_69 = tpu.memref_slice %arg11[%mul3A_22, %dma_wait3A_68] : memref<10240x32xf32, #tpu.memory_space<vmem_shared>> -> memref<640x32xf32, #tpu.memory_space<vmem_shared>>
      tpu.wait_dma2 semaphore(%run_scoped3A : memref<!tpu.dma_semaphore, #tpu.memory_space<semaphore_mem>>) src(%arg10 : memref<640x32xf32, #tpu.memory_space<vmem>>) dst(%dma_wait3A_69 : memref<640x32xf32, #tpu.memory_space<vmem_shared>>)
      tpu.yield
    }) : () -> ()
    %dma_wait3A = arith.constant 0 : i32
    %dma_wait3A_23 = arith.constant 0 : i32
    %dma_wait3A_24 = tpu.memref_slice %arg3[%add3A, %dma_wait3A, %dma_wait3A_23] : memref<32x40x128xi32, #tpu.memory_space<hbm>> -> memref<1x40x128xi32, #tpu.memory_space<hbm>>
    %dma_wait3A_25 = tpu.memref_squeeze %dma_wait3A_24 : memref<1x40x128xi32, #tpu.memory_space<hbm>> -> memref<40x128xi32, #tpu.memory_space<hbm>>
    %dma_wait3A_26 = arith.constant 0 : i32
    %dma_wait3A_27 = arith.constant 0 : i32
    %dma_wait3A_28 = tpu.memref_slice %arg3[%add3A, %dma_wait3A_26, %dma_wait3A_27] : memref<32x40x128xi32, #tpu.memory_space<hbm>> -> memref<1x40x128xi32, #tpu.memory_space<hbm>>
    %dma_wait3A_29 = tpu.memref_squeeze %dma_wait3A_28 : memref<1x40x128xi32, #tpu.memory_space<hbm>> -> memref<40x128xi32, #tpu.memory_space<hbm>>
    tpu.wait_dma2 semaphore(%arg14 : memref<!tpu.dma_semaphore, #tpu.memory_space<semaphore_mem>>) src(%dma_wait3A_29 : memref<40x128xi32, #tpu.memory_space<hbm>>) dst(%arg6 : memref<40x128xi32, #tpu.memory_space<vmem>>)
    %dma_wait3A_30 = arith.constant 0 : i32
    %dma_wait3A_31 = arith.constant 0 : i32
    %dma_wait3A_32 = tpu.memref_slice %arg4[%add3A, %dma_wait3A_30, %dma_wait3A_31] : memref<32x40x128xi32, #tpu.memory_space<hbm>> -> memref<1x40x128xi32, #tpu.memory_space<hbm>>
    %dma_wait3A_33 = tpu.memref_squeeze %dma_wait3A_32 : memref<1x40x128xi32, #tpu.memory_space<hbm>> -> memref<40x128xi32, #tpu.memory_space<hbm>>
    %dma_wait3A_34 = arith.constant 0 : i32
    %dma_wait3A_35 = arith.constant 0 : i32
    %dma_wait3A_36 = tpu.memref_slice %arg4[%add3A, %dma_wait3A_34, %dma_wait3A_35] : memref<32x40x128xi32, #tpu.memory_space<hbm>> -> memref<1x40x128xi32, #tpu.memory_space<hbm>>
    %dma_wait3A_37 = tpu.memref_squeeze %dma_wait3A_36 : memref<1x40x128xi32, #tpu.memory_space<hbm>> -> memref<40x128xi32, #tpu.memory_space<hbm>>
    tpu.wait_dma2 semaphore(%arg14 : memref<!tpu.dma_semaphore, #tpu.memory_space<semaphore_mem>>) src(%dma_wait3A_37 : memref<40x128xi32, #tpu.memory_space<hbm>>) dst(%arg7 : memref<40x128xi32, #tpu.memory_space<vmem>>)
    %dma_start3A_38 = arith.constant 0 : i32
    %dma_start3A_39 = arith.constant 0 : i32
    %dma_start3A_40 = tpu.memref_slice %arg6[%dma_start3A_38, %dma_start3A_39] : memref<40x128xi32, #tpu.memory_space<vmem>> -> memref<1x128xi32, #tpu.memory_space<vmem>>
    %dma_start3A_41 = tpu.memref_squeeze %dma_start3A_40 : memref<1x128xi32, #tpu.memory_space<vmem>> -> memref<128xi32, #tpu.memory_space<vmem>>
    %dma_start3A_42 = arith.constant 0 : i32
    %dma_start3A_43 = arith.constant 0 : i32
    %dma_start3A_44 = tpu.memref_slice %arg2[%dma_start3A_42, %dma_start3A_43] : memref<10000x32xf32, #tpu.memory_space<hbm>> -> memref<10000x32xf32, #tpu.memory_space<hbm>>
    tpu.enqueue_indirect_dma source(%dma_start3A_44 : memref<10000x32xf32, #tpu.memory_space<hbm>>) target(%arg8 : memref<128x32xf32, #tpu.memory_space<vmem>>) offsets(%dma_start3A_41 : memref<128xi32, #tpu.memory_space<vmem>>) semaphore(%arg12 : memref<!tpu.dma_semaphore, #tpu.memory_space<semaphore_mem>>)
    %barrier3A = arith.constant 0 : index
    tpu.barrier barrier_id(%barrier3A)
    %scan3A_45 = arith.constant 0 : i32
    %scan3A_46 = arith.constant 20 : i32
    %scan3A_47 = arith.addi %scan3A_45, %scan3A_46 : i32
    %scan3A_48 = arith.constant 1 : i32
    scf.for %scan3A_62 = %scan3A_45 to %scan3A_47 step %scan3A_48  : i32 {
      %mul3A_63 = arith.constant 2 : i32
      %mul3A_64 = arith.muli %mul3A_63, %scan3A_62 : i32
      %add3A_65 = arith.constant 1 : i32
      %add3A_66 = arith.addi %mul3A_64, %add3A_65 : i32
      %add3A_67 = arith.constant 2 : i32
      %add3A_68 = arith.addi %mul3A_64, %add3A_67 : i32
      %min3A = arith.constant 38 : i32
      %min3A_69 = arith.minsi %add3A_68, %min3A : i32
      %dma_wait3A_70 = arith.constant 0 : i32
      %dma_wait3A_71 = tpu.memref_slice %arg6[%mul3A_64, %dma_wait3A_70] : memref<40x128xi32, #tpu.memory_space<vmem>> -> memref<1x128xi32, #tpu.memory_space<vmem>>
      %dma_wait3A_72 = tpu.memref_squeeze %dma_wait3A_71 : memref<1x128xi32, #tpu.memory_space<vmem>> -> memref<128xi32, #tpu.memory_space<vmem>>
      %dma_wait3A_73 = arith.constant 0 : i32
      %dma_wait3A_74 = arith.constant 0 : i32
      %dma_wait3A_75 = tpu.memref_slice %arg2[%dma_wait3A_73, %dma_wait3A_74] : memref<10000x32xf32, #tpu.memory_space<hbm>> -> memref<10000x32xf32, #tpu.memory_space<hbm>>
      tpu.wait_indirect_dma semaphore(%arg12 : memref<!tpu.dma_semaphore, #tpu.memory_space<semaphore_mem>>) src(%dma_wait3A_75 : memref<10000x32xf32, #tpu.memory_space<hbm>>) dst(%arg8 : memref<128x32xf32, #tpu.memory_space<vmem>>)
      %dma_start3A_76 = arith.constant 0 : i32
      %dma_start3A_77 = tpu.memref_slice %arg6[%add3A_66, %dma_start3A_76] : memref<40x128xi32, #tpu.memory_space<vmem>> -> memref<1x128xi32, #tpu.memory_space<vmem>>
      %dma_start3A_78 = tpu.memref_squeeze %dma_start3A_77 : memref<1x128xi32, #tpu.memory_space<vmem>> -> memref<128xi32, #tpu.memory_space<vmem>>
      %dma_start3A_79 = arith.constant 0 : i32
      %dma_start3A_80 = arith.constant 0 : i32
      %dma_start3A_81 = tpu.memref_slice %arg2[%dma_start3A_79, %dma_start3A_80] : memref<10000x32xf32, #tpu.memory_space<hbm>> -> memref<10000x32xf32, #tpu.memory_space<hbm>>
      tpu.enqueue_indirect_dma source(%dma_start3A_81 : memref<10000x32xf32, #tpu.memory_space<hbm>>) target(%arg9 : memref<128x32xf32, #tpu.memory_space<vmem>>) offsets(%dma_start3A_78 : memref<128xi32, #tpu.memory_space<vmem>>) semaphore(%arg13 : memref<!tpu.dma_semaphore, #tpu.memory_space<semaphore_mem>>)
      "tpu.region"() ({
        %run_scoped3A = tpu.sem_alloc : memref<!tpu.dma_semaphore, #tpu.memory_space<semaphore_mem>>
        %dma_start3A_94 = arith.constant 0 : i32
        %dma_start3A_95 = tpu.memref_slice %arg7[%mul3A_64, %dma_start3A_94] : memref<40x128xi32, #tpu.memory_space<vmem>> -> memref<1x128xi32, #tpu.memory_space<vmem>>
        %dma_start3A_96 = tpu.memref_squeeze %dma_start3A_95 : memref<1x128xi32, #tpu.memory_space<vmem>> -> memref<128xi32, #tpu.memory_space<vmem>>
        %dma_start3A_97 = arith.constant 0 : i32
        %dma_start3A_98 = arith.constant 0 : i32
        %dma_start3A_99 = tpu.memref_slice %arg11[%dma_start3A_97, %dma_start3A_98] : memref<10240x32xf32, #tpu.memory_space<vmem_shared>> -> memref<10240x32xf32, #tpu.memory_space<vmem_shared>>
        tpu.enqueue_indirect_dma source(%arg8 : memref<128x32xf32, #tpu.memory_space<vmem>>) target(%dma_start3A_99 : memref<10240x32xf32, #tpu.memory_space<vmem_shared>>) offsets(%dma_start3A_96 : memref<128xi32, #tpu.memory_space<vmem>>) semaphore(%run_scoped3A : memref<!tpu.dma_semaphore, #tpu.memory_space<semaphore_mem>>) {add = true}
        %dma_wait3A_100 = arith.constant 0 : i32
        %dma_wait3A_101 = tpu.memref_slice %arg7[%mul3A_64, %dma_wait3A_100] : memref<40x128xi32, #tpu.memory_space<vmem>> -> memref<1x128xi32, #tpu.memory_space<vmem>>
        %dma_wait3A_102 = tpu.memref_squeeze %dma_wait3A_101 : memref<1x128xi32, #tpu.memory_space<vmem>> -> memref<128xi32, #tpu.memory_space<vmem>>
        %dma_wait3A_103 = arith.constant 0 : i32
        %dma_wait3A_104 = arith.constant 0 : i32
        %dma_wait3A_105 = tpu.memref_slice %arg11[%dma_wait3A_103, %dma_wait3A_104] : memref<10240x32xf32, #tpu.memory_space<vmem_shared>> -> memref<10240x32xf32, #tpu.memory_space<vmem_shared>>
        tpu.wait_indirect_dma semaphore(%run_scoped3A : memref<!tpu.dma_semaphore, #tpu.memory_space<semaphore_mem>>) src(%arg8 : memref<128x32xf32, #tpu.memory_space<vmem>>) dst(%dma_wait3A_105 : memref<10240x32xf32, #tpu.memory_space<vmem_shared>>)
        tpu.yield
      }) : () -> ()
      %dma_wait3A_82 = arith.constant 0 : i32
      %dma_wait3A_83 = tpu.memref_slice %arg6[%add3A_66, %dma_wait3A_82] : memref<40x128xi32, #tpu.memory_space<vmem>> -> memref<1x128xi32, #tpu.memory_space<vmem>>
      %dma_wait3A_84 = tpu.memref_squeeze %dma_wait3A_83 : memref<1x128xi32, #tpu.memory_space<vmem>> -> memref<128xi32, #tpu.memory_space<vmem>>
      %dma_wait3A_85 = arith.constant 0 : i32
      %dma_wait3A_86 = arith.constant 0 : i32
      %dma_wait3A_87 = tpu.memref_slice %arg2[%dma_wait3A_85, %dma_wait3A_86] : memref<10000x32xf32, #tpu.memory_space<hbm>> -> memref<10000x32xf32, #tpu.memory_space<hbm>>
      tpu.wait_indirect_dma semaphore(%arg13 : memref<!tpu.dma_semaphore, #tpu.memory_space<semaphore_mem>>) src(%dma_wait3A_87 : memref<10000x32xf32, #tpu.memory_space<hbm>>) dst(%arg9 : memref<128x32xf32, #tpu.memory_space<vmem>>)
      %dma_start3A_88 = arith.constant 0 : i32
      %dma_start3A_89 = tpu.memref_slice %arg6[%min3A_69, %dma_start3A_88] : memref<40x128xi32, #tpu.memory_space<vmem>> -> memref<1x128xi32, #tpu.memory_space<vmem>>
      %dma_start3A_90 = tpu.memref_squeeze %dma_start3A_89 : memref<1x128xi32, #tpu.memory_space<vmem>> -> memref<128xi32, #tpu.memory_space<vmem>>
      %dma_start3A_91 = arith.constant 0 : i32
      %dma_start3A_92 = arith.constant 0 : i32
      %dma_start3A_93 = tpu.memref_slice %arg2[%dma_start3A_91, %dma_start3A_92] : memref<10000x32xf32, #tpu.memory_space<hbm>> -> memref<10000x32xf32, #tpu.memory_space<hbm>>
      tpu.enqueue_indirect_dma source(%dma_start3A_93 : memref<10000x32xf32, #tpu.memory_space<hbm>>) target(%arg8 : memref<128x32xf32, #tpu.memory_space<vmem>>) offsets(%dma_start3A_90 : memref<128xi32, #tpu.memory_space<vmem>>) semaphore(%arg12 : memref<!tpu.dma_semaphore, #tpu.memory_space<semaphore_mem>>)
      "tpu.region"() ({
        %run_scoped3A = tpu.sem_alloc : memref<!tpu.dma_semaphore, #tpu.memory_space<semaphore_mem>>
        %dma_start3A_94 = arith.constant 0 : i32
        %dma_start3A_95 = tpu.memref_slice %arg7[%add3A_66, %dma_start3A_94] : memref<40x128xi32, #tpu.memory_space<vmem>> -> memref<1x128xi32, #tpu.memory_space<vmem>>
        %dma_start3A_96 = tpu.memref_squeeze %dma_start3A_95 : memref<1x128xi32, #tpu.memory_space<vmem>> -> memref<128xi32, #tpu.memory_space<vmem>>
        %dma_start3A_97 = arith.constant 0 : i32
        %dma_start3A_98 = arith.constant 0 : i32
        %dma_start3A_99 = tpu.memref_slice %arg11[%dma_start3A_97, %dma_start3A_98] : memref<10240x32xf32, #tpu.memory_space<vmem_shared>> -> memref<10240x32xf32, #tpu.memory_space<vmem_shared>>
        tpu.enqueue_indirect_dma source(%arg9 : memref<128x32xf32, #tpu.memory_space<vmem>>) target(%dma_start3A_99 : memref<10240x32xf32, #tpu.memory_space<vmem_shared>>) offsets(%dma_start3A_96 : memref<128xi32, #tpu.memory_space<vmem>>) semaphore(%run_scoped3A : memref<!tpu.dma_semaphore, #tpu.memory_space<semaphore_mem>>) {add = true}
        %dma_wait3A_100 = arith.constant 0 : i32
        %dma_wait3A_101 = tpu.memref_slice %arg7[%add3A_66, %dma_wait3A_100] : memref<40x128xi32, #tpu.memory_space<vmem>> -> memref<1x128xi32, #tpu.memory_space<vmem>>
        %dma_wait3A_102 = tpu.memref_squeeze %dma_wait3A_101 : memref<1x128xi32, #tpu.memory_space<vmem>> -> memref<128xi32, #tpu.memory_space<vmem>>
        %dma_wait3A_103 = arith.constant 0 : i32
        %dma_wait3A_104 = arith.constant 0 : i32
        %dma_wait3A_105 = tpu.memref_slice %arg11[%dma_wait3A_103, %dma_wait3A_104] : memref<10240x32xf32, #tpu.memory_space<vmem_shared>> -> memref<10240x32xf32, #tpu.memory_space<vmem_shared>>
        tpu.wait_indirect_dma semaphore(%run_scoped3A : memref<!tpu.dma_semaphore, #tpu.memory_space<semaphore_mem>>) src(%arg9 : memref<128x32xf32, #tpu.memory_space<vmem>>) dst(%dma_wait3A_105 : memref<10240x32xf32, #tpu.memory_space<vmem_shared>>)
        tpu.yield
      }) : () -> ()
    }
    %scan3A_49 = arith.constant 20 : i32
    %dma_wait3A_50 = arith.constant 0 : i32
    %dma_wait3A_51 = arith.constant 0 : i32
    %dma_wait3A_52 = tpu.memref_slice %arg6[%dma_wait3A_50, %dma_wait3A_51] : memref<40x128xi32, #tpu.memory_space<vmem>> -> memref<1x128xi32, #tpu.memory_space<vmem>>
    %dma_wait3A_53 = tpu.memref_squeeze %dma_wait3A_52 : memref<1x128xi32, #tpu.memory_space<vmem>> -> memref<128xi32, #tpu.memory_space<vmem>>
    %dma_wait3A_54 = arith.constant 0 : i32
    %dma_wait3A_55 = arith.constant 0 : i32
    %dma_wait3A_56 = tpu.memref_slice %arg2[%dma_wait3A_54, %dma_wait3A_55] : memref<10000x32xf32, #tpu.memory_space<hbm>> -> memref<10000x32xf32, #tpu.memory_space<hbm>>
    tpu.wait_indirect_dma semaphore(%arg12 : memref<!tpu.dma_semaphore, #tpu.memory_space<semaphore_mem>>) src(%dma_wait3A_56 : memref<10000x32xf32, #tpu.memory_space<hbm>>) dst(%arg8 : memref<128x32xf32, #tpu.memory_space<vmem>>)
    %barrier3A_57 = arith.constant 0 : index
    tpu.barrier barrier_id(%barrier3A_57)
    %mul3A_58 = arith.constant 640 : i32
    %mul3A_59 = arith.muli %arg1, %mul3A_58 : i32
    "tpu.region"() ({
      %run_scoped3A = tpu.sem_alloc : memref<!tpu.dma_semaphore, #tpu.memory_space<semaphore_mem>>
      %dma_start3A_62 = arith.constant 0 : i32
      %dma_start3A_63 = tpu.memref_slice %arg11[%mul3A_59, %dma_start3A_62] : memref<10240x32xf32, #tpu.memory_space<vmem_shared>> -> memref<640x32xf32, #tpu.memory_space<vmem_shared>>
      %dma_start3A_64 = arith.constant 0 : i32
      %dma_start3A_65 = tpu.memref_slice %arg11[%mul3A_59, %dma_start3A_64] : memref<10240x32xf32, #tpu.memory_space<vmem_shared>> -> memref<640x32xf32, #tpu.memory_space<vmem_shared>>
      tpu.enqueue_dma source(%dma_start3A_65 : memref<640x32xf32, #tpu.memory_space<vmem_shared>>) target(%arg10 : memref<640x32xf32, #tpu.memory_space<vmem>>) target_semaphore(%run_scoped3A : memref<!tpu.dma_semaphore, #tpu.memory_space<semaphore_mem>>)
      %dma_wait3A_66 = arith.constant 0 : i32
      %dma_wait3A_67 = tpu.memref_slice %arg11[%mul3A_59, %dma_wait3A_66] : memref<10240x32xf32, #tpu.memory_space<vmem_shared>> -> memref<640x32xf32, #tpu.memory_space<vmem_shared>>
      %dma_wait3A_68 = arith.constant 0 : i32
      %dma_wait3A_69 = tpu.memref_slice %arg11[%mul3A_59, %dma_wait3A_68] : memref<10240x32xf32, #tpu.memory_space<vmem_shared>> -> memref<640x32xf32, #tpu.memory_space<vmem_shared>>
      tpu.wait_dma2 semaphore(%run_scoped3A : memref<!tpu.dma_semaphore, #tpu.memory_space<semaphore_mem>>) src(%dma_wait3A_69 : memref<640x32xf32, #tpu.memory_space<vmem_shared>>) dst(%arg10 : memref<640x32xf32, #tpu.memory_space<vmem>>)
      tpu.yield
    }) : () -> ()
    %mul3A_60 = arith.constant 640 : i32
    %mul3A_61 = arith.muli %arg1, %mul3A_60 : i32
    "tpu.region"() ({
      %run_scoped3A = tpu.sem_alloc : memref<!tpu.dma_semaphore, #tpu.memory_space<semaphore_mem>>
      %dma_start3A_62 = arith.constant 0 : i32
      %dma_start3A_63 = tpu.memref_slice %arg5[%arg0, %mul3A_61, %dma_start3A_62] : memref<2x10240x32xf32, #tpu.memory_space<hbm>> -> memref<1x640x32xf32, #tpu.memory_space<hbm>>
      %dma_start3A_64 = tpu.memref_squeeze %dma_start3A_63 : memref<1x640x32xf32, #tpu.memory_space<hbm>> -> memref<640x32xf32, #tpu.memory_space<hbm>>
      %dma_start3A_65 = arith.constant 0 : i32
      %dma_start3A_66 = tpu.memref_slice %arg5[%arg0, %mul3A_61, %dma_start3A_65] : memref<2x10240x32xf32, #tpu.memory_space<hbm>> -> memref<1x640x32xf32, #tpu.memory_space<hbm>>
      %dma_start3A_67 = tpu.memref_squeeze %dma_start3A_66 : memref<1x640x32xf32, #tpu.memory_space<hbm>> -> memref<640x32xf32, #tpu.memory_space<hbm>>
      tpu.enqueue_dma source(%arg10 : memref<640x32xf32, #tpu.memory_space<vmem>>) target(%dma_start3A_67 : memref<640x32xf32, #tpu.memory_space<hbm>>) target_semaphore(%run_scoped3A : memref<!tpu.dma_semaphore, #tpu.memory_space<semaphore_mem>>)
      %dma_wait3A_68 = arith.constant 0 : i32
      %dma_wait3A_69 = tpu.memref_slice %arg5[%arg0, %mul3A_61, %dma_wait3A_68] : memref<2x10240x32xf32, #tpu.memory_space<hbm>> -> memref<1x640x32xf32, #tpu.memory_space<hbm>>
      %dma_wait3A_70 = tpu.memref_squeeze %dma_wait3A_69 : memref<1x640x32xf32, #tpu.memory_space<hbm>> -> memref<640x32xf32, #tpu.memory_space<hbm>>
      %dma_wait3A_71 = arith.constant 0 : i32
      %dma_wait3A_72 = tpu.memref_slice %arg5[%arg0, %mul3A_61, %dma_wait3A_71] : memref<2x10240x32xf32, #tpu.memory_space<hbm>> -> memref<1x640x32xf32, #tpu.memory_space<hbm>>
      %dma_wait3A_73 = tpu.memref_squeeze %dma_wait3A_72 : memref<1x640x32xf32, #tpu.memory_space<hbm>> -> memref<640x32xf32, #tpu.memory_space<hbm>>
      tpu.wait_dma2 semaphore(%run_scoped3A : memref<!tpu.dma_semaphore, #tpu.memory_space<semaphore_mem>>) src(%arg10 : memref<640x32xf32, #tpu.memory_space<vmem>>) dst(%dma_wait3A_73 : memref<640x32xf32, #tpu.memory_space<hbm>>)
      tpu.yield
    }) : () -> ()
    return
  }
}

#map = affine_map<(d0, d1) -> (0, 0)>
#map1 = affine_map<(d0, d1) -> (0, 0, 0)>
module attributes {stable_mosaic.version = 14 : i64} {
  func.func @_spmm_kernel(%arg0: i32, %arg1: i32, %arg2: memref<10000x32xf32, #tpu.memory_space<hbm>>, %arg3: memref<32x40x128xi32, #tpu.memory_space<hbm>>, %arg4: memref<32x40x128xi32, #tpu.memory_space<hbm>>, %arg5: memref<2x10240x32xf32, #tpu.memory_space<hbm>>, %arg6: memref<40x128xi32, #tpu.memory_space<vmem>>, %arg7: memref<40x128xi32, #tpu.memory_space<vmem>>, %arg8: memref<128x32xf32, #tpu.memory_space<vmem>>, %arg9: memref<128x32xf32, #tpu.memory_space<vmem>>, %arg10: memref<640x32xf32, #tpu.memory_space<vmem>>, %arg11: memref<10240x32xf32, #tpu.memory_space<vmem_shared>>, %arg12: memref<!tpu.dma_semaphore, #tpu.memory_space<semaphore_mem>>, %arg13: memref<!tpu.dma_semaphore, #tpu.memory_space<semaphore_mem>>, %arg14: memref<!tpu.dma_semaphore, #tpu.memory_space<semaphore_mem>>) attributes {dimension_semantics = [#tpu.dimension_semantics<core_parallel>, #tpu.dimension_semantics<subcore_parallel>], iteration_bounds = array<i64: 2, 16>, scalar_prefetch = 0 : i64, scratch_operands = 9 : i64, tpu.core_type = #tpu.core_type<sc_vector_subcore>, window_params = [{transform_indices = #map}, {transform_indices = #map1}, {transform_indices = #map1}, {transform_indices = #map1}]} {
    %mul3A = arith.constant 16 : i32
    %mul3A_0 = arith.muli %arg0, %mul3A : i32
    %add3A = arith.addi %mul3A_0, %arg1 : i32
    %dma_start3A = arith.constant 0 : i32
    %dma_start3A_1 = arith.constant 0 : i32
    %dma_start3A_2 = tpu.memref_slice %arg3[%add3A, %dma_start3A, %dma_start3A_1] : memref<32x40x128xi32, #tpu.memory_space<hbm>> -> memref<1x40x128xi32, #tpu.memory_space<hbm>>
    %dma_start3A_3 = tpu.memref_squeeze %dma_start3A_2 : memref<1x40x128xi32, #tpu.memory_space<hbm>> -> memref<40x128xi32, #tpu.memory_space<hbm>>
    %dma_start3A_4 = arith.constant 0 : i32
    %dma_start3A_5 = arith.constant 0 : i32
    %dma_start3A_6 = tpu.memref_slice %arg3[%add3A, %dma_start3A_4, %dma_start3A_5] : memref<32x40x128xi32, #tpu.memory_space<hbm>> -> memref<1x40x128xi32, #tpu.memory_space<hbm>>
    %dma_start3A_7 = tpu.memref_squeeze %dma_start3A_6 : memref<1x40x128xi32, #tpu.memory_space<hbm>> -> memref<40x128xi32, #tpu.memory_space<hbm>>
    tpu.enqueue_dma source(%dma_start3A_7 : memref<40x128xi32, #tpu.memory_space<hbm>>) target(%arg6 : memref<40x128xi32, #tpu.memory_space<vmem>>) target_semaphore(%arg14 : memref<!tpu.dma_semaphore, #tpu.memory_space<semaphore_mem>>)
    %dma_start3A_8 = arith.constant 0 : i32
    %dma_start3A_9 = arith.constant 0 : i32
    %dma_start3A_10 = tpu.memref_slice %arg4[%add3A, %dma_start3A_8, %dma_start3A_9] : memref<32x40x128xi32, #tpu.memory_space<hbm>> -> memref<1x40x128xi32, #tpu.memory_space<hbm>>
    %dma_start3A_11 = tpu.memref_squeeze %dma_start3A_10 : memref<1x40x128xi32, #tpu.memory_space<hbm>> -> memref<40x128xi32, #tpu.memory_space<hbm>>
    %dma_start3A_12 = arith.constant 0 : i32
    %dma_start3A_13 = arith.constant 0 : i32
    %dma_start3A_14 = tpu.memref_slice %arg4[%add3A, %dma_start3A_12, %dma_start3A_13] : memref<32x40x128xi32, #tpu.memory_space<hbm>> -> memref<1x40x128xi32, #tpu.memory_space<hbm>>
    %dma_start3A_15 = tpu.memref_squeeze %dma_start3A_14 : memref<1x40x128xi32, #tpu.memory_space<hbm>> -> memref<40x128xi32, #tpu.memory_space<hbm>>
    tpu.enqueue_dma source(%dma_start3A_15 : memref<40x128xi32, #tpu.memory_space<hbm>>) target(%arg7 : memref<40x128xi32, #tpu.memory_space<vmem>>) target_semaphore(%arg14 : memref<!tpu.dma_semaphore, #tpu.memory_space<semaphore_mem>>)
    %broadcast_in_dim3A = arith.constant 0.000000e+00 : f32
    %broadcast_in_dim3A_16 = vector.broadcast %broadcast_in_dim3A : f32 to vector<16xf32>
    %scan3A = arith.constant 0 : i32
    %scan3A_17 = arith.constant 640 : i32
    %scan3A_18 = arith.addi %scan3A, %scan3A_17 : i32
    %scan3A_19 = arith.constant 1 : i32
    scf.for %scan3A_62 = %scan3A to %scan3A_18 step %scan3A_19  : i32 {
      %swap3A = arith.index_cast %scan3A_62 : i32 to index
      %swap3A_63 = arith.constant 0 : index
      %swap3A_64 = tpu.vector_load %arg10[%swap3A, %swap3A_63] {strides = array<i32>} : memref<640x32xf32, #tpu.memory_space<vmem>>, vector<16xf32>,
      tpu.vector_store %arg10[%swap3A, %swap3A_63], %broadcast_in_dim3A_16 {strides = array<i32>} : memref<640x32xf32, #tpu.memory_space<vmem>>, vector<16xf32>,
      %swap3A_65 = arith.index_cast %scan3A_62 : i32 to index
      %swap3A_66 = arith.constant 16 : index
      %swap3A_67 = tpu.vector_load %arg10[%swap3A_65, %swap3A_66] {strides = array<i32>} : memref<640x32xf32, #tpu.memory_space<vmem>>, vector<16xf32>,
      tpu.vector_store %arg10[%swap3A_65, %swap3A_66], %broadcast_in_dim3A_16 {strides = array<i32>} : memref<640x32xf32, #tpu.memory_space<vmem>>, vector<16xf32>,
    }
    %scan3A_20 = arith.constant 640 : i32
    %mul3A_21 = arith.constant 640 : i32
    %mul3A_22 = arith.muli %arg1, %mul3A_21 : i32
    "tpu.region"() ({
      %run_scoped3A = tpu.sem_alloc : memref<!tpu.dma_semaphore, #tpu.memory_space<semaphore_mem>>
      %dma_start3A_62 = arith.constant 0 : i32
      %dma_start3A_63 = tpu.memref_slice %arg11[%mul3A_22, %dma_start3A_62] : memref<10240x32xf32, #tpu.memory_space<vmem_shared>> -> memref<640x32xf32, #tpu.memory_space<vmem_shared>>
      %dma_start3A_64 = arith.constant 0 : i32
      %dma_start3A_65 = tpu.memref_slice %arg11[%mul3A_22, %dma_start3A_64] : memref<10240x32xf32, #tpu.memory_space<vmem_shared>> -> memref<640x32xf32, #tpu.memory_space<vmem_shared>>
      tpu.enqueue_dma source(%arg10 : memref<640x32xf32, #tpu.memory_space<vmem>>) target(%dma_start3A_65 : memref<640x32xf32, #tpu.memory_space<vmem_shared>>) target_semaphore(%run_scoped3A : memref<!tpu.dma_semaphore, #tpu.memory_space<semaphore_mem>>)
      %dma_wait3A_66 = arith.constant 0 : i32
      %dma_wait3A_67 = tpu.memref_slice %arg11[%mul3A_22, %dma_wait3A_66] : memref<10240x32xf32, #tpu.memory_space<vmem_shared>> -> memref<640x32xf32, #tpu.memory_space<vmem_shared>>
      %dma_wait3A_68 = arith.constant 0 : i32
      %dma_wait3A_69 = tpu.memref_slice %arg11[%mul3A_22, %dma_wait3A_68] : memref<10240x32xf32, #tpu.memory_space<vmem_shared>> -> memref<640x32xf32, #tpu.memory_space<vmem_shared>>
      tpu.wait_dma2 semaphore(%run_scoped3A : memref<!tpu.dma_semaphore, #tpu.memory_space<semaphore_mem>>) src(%arg10 : memref<640x32xf32, #tpu.memory_space<vmem>>) dst(%dma_wait3A_69 : memref<640x32xf32, #tpu.memory_space<vmem_shared>>)
      tpu.yield
    }) : () -> ()
    %dma_wait3A = arith.constant 0 : i32
    %dma_wait3A_23 = arith.constant 0 : i32
    %dma_wait3A_24 = tpu.memref_slice %arg3[%add3A, %dma_wait3A, %dma_wait3A_23] : memref<32x40x128xi32, #tpu.memory_space<hbm>> -> memref<1x40x128xi32, #tpu.memory_space<hbm>>
    %dma_wait3A_25 = tpu.memref_squeeze %dma_wait3A_24 : memref<1x40x128xi32, #tpu.memory_space<hbm>> -> memref<40x128xi32, #tpu.memory_space<hbm>>
    %dma_wait3A_26 = arith.constant 0 : i32
    %dma_wait3A_27 = arith.constant 0 : i32
    %dma_wait3A_28 = tpu.memref_slice %arg3[%add3A, %dma_wait3A_26, %dma_wait3A_27] : memref<32x40x128xi32, #tpu.memory_space<hbm>> -> memref<1x40x128xi32, #tpu.memory_space<hbm>>
    %dma_wait3A_29 = tpu.memref_squeeze %dma_wait3A_28 : memref<1x40x128xi32, #tpu.memory_space<hbm>> -> memref<40x128xi32, #tpu.memory_space<hbm>>
    tpu.wait_dma2 semaphore(%arg14 : memref<!tpu.dma_semaphore, #tpu.memory_space<semaphore_mem>>) src(%dma_wait3A_29 : memref<40x128xi32, #tpu.memory_space<hbm>>) dst(%arg6 : memref<40x128xi32, #tpu.memory_space<vmem>>)
    %dma_wait3A_30 = arith.constant 0 : i32
    %dma_wait3A_31 = arith.constant 0 : i32
    %dma_wait3A_32 = tpu.memref_slice %arg4[%add3A, %dma_wait3A_30, %dma_wait3A_31] : memref<32x40x128xi32, #tpu.memory_space<hbm>> -> memref<1x40x128xi32, #tpu.memory_space<hbm>>
    %dma_wait3A_33 = tpu.memref_squeeze %dma_wait3A_32 : memref<1x40x128xi32, #tpu.memory_space<hbm>> -> memref<40x128xi32, #tpu.memory_space<hbm>>
    %dma_wait3A_34 = arith.constant 0 : i32
    %dma_wait3A_35 = arith.constant 0 : i32
    %dma_wait3A_36 = tpu.memref_slice %arg4[%add3A, %dma_wait3A_34, %dma_wait3A_35] : memref<32x40x128xi32, #tpu.memory_space<hbm>> -> memref<1x40x128xi32, #tpu.memory_space<hbm>>
    %dma_wait3A_37 = tpu.memref_squeeze %dma_wait3A_36 : memref<1x40x128xi32, #tpu.memory_space<hbm>> -> memref<40x128xi32, #tpu.memory_space<hbm>>
    tpu.wait_dma2 semaphore(%arg14 : memref<!tpu.dma_semaphore, #tpu.memory_space<semaphore_mem>>) src(%dma_wait3A_37 : memref<40x128xi32, #tpu.memory_space<hbm>>) dst(%arg7 : memref<40x128xi32, #tpu.memory_space<vmem>>)
    %dma_start3A_38 = arith.constant 0 : i32
    %dma_start3A_39 = arith.constant 0 : i32
    %dma_start3A_40 = tpu.memref_slice %arg6[%dma_start3A_38, %dma_start3A_39] : memref<40x128xi32, #tpu.memory_space<vmem>> -> memref<1x128xi32, #tpu.memory_space<vmem>>
    %dma_start3A_41 = tpu.memref_squeeze %dma_start3A_40 : memref<1x128xi32, #tpu.memory_space<vmem>> -> memref<128xi32, #tpu.memory_space<vmem>>
    %dma_start3A_42 = arith.constant 0 : i32
    %dma_start3A_43 = arith.constant 0 : i32
    %dma_start3A_44 = tpu.memref_slice %arg2[%dma_start3A_42, %dma_start3A_43] : memref<10000x32xf32, #tpu.memory_space<hbm>> -> memref<10000x32xf32, #tpu.memory_space<hbm>>
    tpu.enqueue_indirect_dma source(%dma_start3A_44 : memref<10000x32xf32, #tpu.memory_space<hbm>>) target(%arg8 : memref<128x32xf32, #tpu.memory_space<vmem>>) offsets(%dma_start3A_41 : memref<128xi32, #tpu.memory_space<vmem>>) semaphore(%arg12 : memref<!tpu.dma_semaphore, #tpu.memory_space<semaphore_mem>>)
    %barrier3A = arith.constant 0 : index
    tpu.barrier barrier_id(%barrier3A)
    %scan3A_45 = arith.constant 0 : i32
    %scan3A_46 = arith.constant 20 : i32
    %scan3A_47 = arith.addi %scan3A_45, %scan3A_46 : i32
    %scan3A_48 = arith.constant 1 : i32
    scf.for %scan3A_62 = %scan3A_45 to %scan3A_47 step %scan3A_48  : i32 {
      %mul3A_63 = arith.constant 2 : i32
      %mul3A_64 = arith.muli %mul3A_63, %scan3A_62 : i32
      %add3A_65 = arith.constant 1 : i32
      %add3A_66 = arith.addi %mul3A_64, %add3A_65 : i32
      %add3A_67 = arith.constant 2 : i32
      %add3A_68 = arith.addi %mul3A_64, %add3A_67 : i32
      %min3A = arith.constant 38 : i32
      %min3A_69 = arith.minsi %add3A_68, %min3A : i32
      %dma_wait3A_70 = arith.constant 0 : i32
      %dma_wait3A_71 = tpu.memref_slice %arg6[%mul3A_64, %dma_wait3A_70] : memref<40x128xi32, #tpu.memory_space<vmem>> -> memref<1x128xi32, #tpu.memory_space<vmem>>
      %dma_wait3A_72 = tpu.memref_squeeze %dma_wait3A_71 : memref<1x128xi32, #tpu.memory_space<vmem>> -> memref<128xi32, #tpu.memory_space<vmem>>
      %dma_wait3A_73 = arith.constant 0 : i32
      %dma_wait3A_74 = arith.constant 0 : i32
      %dma_wait3A_75 = tpu.memref_slice %arg2[%dma_wait3A_73, %dma_wait3A_74] : memref<10000x32xf32, #tpu.memory_space<hbm>> -> memref<10000x32xf32, #tpu.memory_space<hbm>>
      tpu.wait_indirect_dma semaphore(%arg12 : memref<!tpu.dma_semaphore, #tpu.memory_space<semaphore_mem>>) src(%dma_wait3A_75 : memref<10000x32xf32, #tpu.memory_space<hbm>>) dst(%arg8 : memref<128x32xf32, #tpu.memory_space<vmem>>)
      %dma_start3A_76 = arith.constant 0 : i32
      %dma_start3A_77 = tpu.memref_slice %arg6[%add3A_66, %dma_start3A_76] : memref<40x128xi32, #tpu.memory_space<vmem>> -> memref<1x128xi32, #tpu.memory_space<vmem>>
      %dma_start3A_78 = tpu.memref_squeeze %dma_start3A_77 : memref<1x128xi32, #tpu.memory_space<vmem>> -> memref<128xi32, #tpu.memory_space<vmem>>
      %dma_start3A_79 = arith.constant 0 : i32
      %dma_start3A_80 = arith.constant 0 : i32
      %dma_start3A_81 = tpu.memref_slice %arg2[%dma_start3A_79, %dma_start3A_80] : memref<10000x32xf32, #tpu.memory_space<hbm>> -> memref<10000x32xf32, #tpu.memory_space<hbm>>
      tpu.enqueue_indirect_dma source(%dma_start3A_81 : memref<10000x32xf32, #tpu.memory_space<hbm>>) target(%arg9 : memref<128x32xf32, #tpu.memory_space<vmem>>) offsets(%dma_start3A_78 : memref<128xi32, #tpu.memory_space<vmem>>) semaphore(%arg13 : memref<!tpu.dma_semaphore, #tpu.memory_space<semaphore_mem>>)
      "tpu.region"() ({
        %run_scoped3A = tpu.sem_alloc : memref<!tpu.dma_semaphore, #tpu.memory_space<semaphore_mem>>
        %dma_start3A_94 = arith.constant 0 : i32
        %dma_start3A_95 = tpu.memref_slice %arg7[%mul3A_64, %dma_start3A_94] : memref<40x128xi32, #tpu.memory_space<vmem>> -> memref<1x128xi32, #tpu.memory_space<vmem>>
        %dma_start3A_96 = tpu.memref_squeeze %dma_start3A_95 : memref<1x128xi32, #tpu.memory_space<vmem>> -> memref<128xi32, #tpu.memory_space<vmem>>
        %dma_start3A_97 = arith.constant 0 : i32
        %dma_start3A_98 = arith.constant 0 : i32
        %dma_start3A_99 = tpu.memref_slice %arg11[%dma_start3A_97, %dma_start3A_98] : memref<10240x32xf32, #tpu.memory_space<vmem_shared>> -> memref<10240x32xf32, #tpu.memory_space<vmem_shared>>
        tpu.enqueue_indirect_dma source(%arg8 : memref<128x32xf32, #tpu.memory_space<vmem>>) target(%dma_start3A_99 : memref<10240x32xf32, #tpu.memory_space<vmem_shared>>) offsets(%dma_start3A_96 : memref<128xi32, #tpu.memory_space<vmem>>) semaphore(%run_scoped3A : memref<!tpu.dma_semaphore, #tpu.memory_space<semaphore_mem>>) {add = true}
        %dma_wait3A_100 = arith.constant 0 : i32
        %dma_wait3A_101 = tpu.memref_slice %arg7[%mul3A_64, %dma_wait3A_100] : memref<40x128xi32, #tpu.memory_space<vmem>> -> memref<1x128xi32, #tpu.memory_space<vmem>>
        %dma_wait3A_102 = tpu.memref_squeeze %dma_wait3A_101 : memref<1x128xi32, #tpu.memory_space<vmem>> -> memref<128xi32, #tpu.memory_space<vmem>>
        %dma_wait3A_103 = arith.constant 0 : i32
        %dma_wait3A_104 = arith.constant 0 : i32
        %dma_wait3A_105 = tpu.memref_slice %arg11[%dma_wait3A_103, %dma_wait3A_104] : memref<10240x32xf32, #tpu.memory_space<vmem_shared>> -> memref<10240x32xf32, #tpu.memory_space<vmem_shared>>
        tpu.wait_indirect_dma semaphore(%run_scoped3A : memref<!tpu.dma_semaphore, #tpu.memory_space<semaphore_mem>>) src(%arg8 : memref<128x32xf32, #tpu.memory_space<vmem>>) dst(%dma_wait3A_105 : memref<10240x32xf32, #tpu.memory_space<vmem_shared>>)
        tpu.yield
      }) : () -> ()
      %dma_wait3A_82 = arith.constant 0 : i32
      %dma_wait3A_83 = tpu.memref_slice %arg6[%add3A_66, %dma_wait3A_82] : memref<40x128xi32, #tpu.memory_space<vmem>> -> memref<1x128xi32, #tpu.memory_space<vmem>>
      %dma_wait3A_84 = tpu.memref_squeeze %dma_wait3A_83 : memref<1x128xi32, #tpu.memory_space<vmem>> -> memref<128xi32, #tpu.memory_space<vmem>>
      %dma_wait3A_85 = arith.constant 0 : i32
      %dma_wait3A_86 = arith.constant 0 : i32
      %dma_wait3A_87 = tpu.memref_slice %arg2[%dma_wait3A_85, %dma_wait3A_86] : memref<10000x32xf32, #tpu.memory_space<hbm>> -> memref<10000x32xf32, #tpu.memory_space<hbm>>
      tpu.wait_indirect_dma semaphore(%arg13 : memref<!tpu.dma_semaphore, #tpu.memory_space<semaphore_mem>>) src(%dma_wait3A_87 : memref<10000x32xf32, #tpu.memory_space<hbm>>) dst(%arg9 : memref<128x32xf32, #tpu.memory_space<vmem>>)
      %dma_start3A_88 = arith.constant 0 : i32
      %dma_start3A_89 = tpu.memref_slice %arg6[%min3A_69, %dma_start3A_88] : memref<40x128xi32, #tpu.memory_space<vmem>> -> memref<1x128xi32, #tpu.memory_space<vmem>>
      %dma_start3A_90 = tpu.memref_squeeze %dma_start3A_89 : memref<1x128xi32, #tpu.memory_space<vmem>> -> memref<128xi32, #tpu.memory_space<vmem>>
      %dma_start3A_91 = arith.constant 0 : i32
      %dma_start3A_92 = arith.constant 0 : i32
      %dma_start3A_93 = tpu.memref_slice %arg2[%dma_start3A_91, %dma_start3A_92] : memref<10000x32xf32, #tpu.memory_space<hbm>> -> memref<10000x32xf32, #tpu.memory_space<hbm>>
      tpu.enqueue_indirect_dma source(%dma_start3A_93 : memref<10000x32xf32, #tpu.memory_space<hbm>>) target(%arg8 : memref<128x32xf32, #tpu.memory_space<vmem>>) offsets(%dma_start3A_90 : memref<128xi32, #tpu.memory_space<vmem>>) semaphore(%arg12 : memref<!tpu.dma_semaphore, #tpu.memory_space<semaphore_mem>>)
      "tpu.region"() ({
        %run_scoped3A = tpu.sem_alloc : memref<!tpu.dma_semaphore, #tpu.memory_space<semaphore_mem>>
        %dma_start3A_94 = arith.constant 0 : i32
        %dma_start3A_95 = tpu.memref_slice %arg7[%add3A_66, %dma_start3A_94] : memref<40x128xi32, #tpu.memory_space<vmem>> -> memref<1x128xi32, #tpu.memory_space<vmem>>
        %dma_start3A_96 = tpu.memref_squeeze %dma_start3A_95 : memref<1x128xi32, #tpu.memory_space<vmem>> -> memref<128xi32, #tpu.memory_space<vmem>>
        %dma_start3A_97 = arith.constant 0 : i32
        %dma_start3A_98 = arith.constant 0 : i32
        %dma_start3A_99 = tpu.memref_slice %arg11[%dma_start3A_97, %dma_start3A_98] : memref<10240x32xf32, #tpu.memory_space<vmem_shared>> -> memref<10240x32xf32, #tpu.memory_space<vmem_shared>>
        tpu.enqueue_indirect_dma source(%arg9 : memref<128x32xf32, #tpu.memory_space<vmem>>) target(%dma_start3A_99 : memref<10240x32xf32, #tpu.memory_space<vmem_shared>>) offsets(%dma_start3A_96 : memref<128xi32, #tpu.memory_space<vmem>>) semaphore(%run_scoped3A : memref<!tpu.dma_semaphore, #tpu.memory_space<semaphore_mem>>) {add = true}
        %dma_wait3A_100 = arith.constant 0 : i32
        %dma_wait3A_101 = tpu.memref_slice %arg7[%add3A_66, %dma_wait3A_100] : memref<40x128xi32, #tpu.memory_space<vmem>> -> memref<1x128xi32, #tpu.memory_space<vmem>>
        %dma_wait3A_102 = tpu.memref_squeeze %dma_wait3A_101 : memref<1x128xi32, #tpu.memory_space<vmem>> -> memref<128xi32, #tpu.memory_space<vmem>>
        %dma_wait3A_103 = arith.constant 0 : i32
        %dma_wait3A_104 = arith.constant 0 : i32
        %dma_wait3A_105 = tpu.memref_slice %arg11[%dma_wait3A_103, %dma_wait3A_104] : memref<10240x32xf32, #tpu.memory_space<vmem_shared>> -> memref<10240x32xf32, #tpu.memory_space<vmem_shared>>
        tpu.wait_indirect_dma semaphore(%run_scoped3A : memref<!tpu.dma_semaphore, #tpu.memory_space<semaphore_mem>>) src(%arg9 : memref<128x32xf32, #tpu.memory_space<vmem>>) dst(%dma_wait3A_105 : memref<10240x32xf32, #tpu.memory_space<vmem_shared>>)
        tpu.yield
      }) : () -> ()
    }
    %scan3A_49 = arith.constant 20 : i32
    %dma_wait3A_50 = arith.constant 0 : i32
    %dma_wait3A_51 = arith.constant 0 : i32
    %dma_wait3A_52 = tpu.memref_slice %arg6[%dma_wait3A_50, %dma_wait3A_51] : memref<40x128xi32, #tpu.memory_space<vmem>> -> memref<1x128xi32, #tpu.memory_space<vmem>>
    %dma_wait3A_53 = tpu.memref_squeeze %dma_wait3A_52 : memref<1x128xi32, #tpu.memory_space<vmem>> -> memref<128xi32, #tpu.memory_space<vmem>>
    %dma_wait3A_54 = arith.constant 0 : i32
    %dma_wait3A_55 = arith.constant 0 : i32
    %dma_wait3A_56 = tpu.memref_slice %arg2[%dma_wait3A_54, %dma_wait3A_55] : memref<10000x32xf32, #tpu.memory_space<hbm>> -> memref<10000x32xf32, #tpu.memory_space<hbm>>
    tpu.wait_indirect_dma semaphore(%arg12 : memref<!tpu.dma_semaphore, #tpu.memory_space<semaphore_mem>>) src(%dma_wait3A_56 : memref<10000x32xf32, #tpu.memory_space<hbm>>) dst(%arg8 : memref<128x32xf32, #tpu.memory_space<vmem>>)
    %barrier3A_57 = arith.constant 0 : index
    tpu.barrier barrier_id(%barrier3A_57)
    %mul3A_58 = arith.constant 640 : i32
    %mul3A_59 = arith.muli %arg1, %mul3A_58 : i32
    "tpu.region"() ({
      %run_scoped3A = tpu.sem_alloc : memref<!tpu.dma_semaphore, #tpu.memory_space<semaphore_mem>>
      %dma_start3A_62 = arith.constant 0 : i32
      %dma_start3A_63 = tpu.memref_slice %arg11[%mul3A_59, %dma_start3A_62] : memref<10240x32xf32, #tpu.memory_space<vmem_shared>> -> memref<640x32xf32, #tpu.memory_space<vmem_shared>>
      %dma_start3A_64 = arith.constant 0 : i32
      %dma_start3A_65 = tpu.memref_slice %arg11[%mul3A_59, %dma_start3A_64] : memref<10240x32xf32, #tpu.memory_space<vmem_shared>> -> memref<640x32xf32, #tpu.memory_space<vmem_shared>>
      tpu.enqueue_dma source(%dma_start3A_65 : memref<640x32xf32, #tpu.memory_space<vmem_shared>>) target(%arg10 : memref<640x32xf32, #tpu.memory_space<vmem>>) target_semaphore(%run_scoped3A : memref<!tpu.dma_semaphore, #tpu.memory_space<semaphore_mem>>)
      %dma_wait3A_66 = arith.constant 0 : i32
      %dma_wait3A_67 = tpu.memref_slice %arg11[%mul3A_59, %dma_wait3A_66] : memref<10240x32xf32, #tpu.memory_space<vmem_shared>> -> memref<640x32xf32, #tpu.memory_space<vmem_shared>>
      %dma_wait3A_68 = arith.constant 0 : i32
      %dma_wait3A_69 = tpu.memref_slice %arg11[%mul3A_59, %dma_wait3A_68] : memref<10240x32xf32, #tpu.memory_space<vmem_shared>> -> memref<640x32xf32, #tpu.memory_space<vmem_shared>>
      tpu.wait_dma2 semaphore(%run_scoped3A : memref<!tpu.dma_semaphore, #tpu.memory_space<semaphore_mem>>) src(%dma_wait3A_69 : memref<640x32xf32, #tpu.memory_space<vmem_shared>>) dst(%arg10 : memref<640x32xf32, #tpu.memory_space<vmem>>)
      tpu.yield
    }) : () -> ()
    %mul3A_60 = arith.constant 640 : i32
    %mul3A_61 = arith.muli %arg1, %mul3A_60 : i32
    "tpu.region"() ({
      %run_scoped3A = tpu.sem_alloc : memref<!tpu.dma_semaphore, #tpu.memory_space<semaphore_mem>>
      %dma_start3A_62 = arith.constant 0 : i32
      %dma_start3A_63 = tpu.memref_slice %arg5[%arg0, %mul3A_61, %dma_start3A_62] : memref<2x10240x32xf32, #tpu.memory_space<hbm>> -> memref<1x640x32xf32, #tpu.memory_space<hbm>>
      %dma_start3A_64 = tpu.memref_squeeze %dma_start3A_63 : memref<1x640x32xf32, #tpu.memory_space<hbm>> -> memref<640x32xf32, #tpu.memory_space<hbm>>
      %dma_start3A_65 = arith.constant 0 : i32
      %dma_start3A_66 = tpu.memref_slice %arg5[%arg0, %mul3A_61, %dma_start3A_65] : memref<2x10240x32xf32, #tpu.memory_space<hbm>> -> memref<1x640x32xf32, #tpu.memory_space<hbm>>
      %dma_start3A_67 = tpu.memref_squeeze %dma_start3A_66 : memref<1x640x32xf32, #tpu.memory_space<hbm>> -> memref<640x32xf32, #tpu.memory_space<hbm>>
      tpu.enqueue_dma source(%arg10 : memref<640x32xf32, #tpu.memory_space<vmem>>) target(%dma_start3A_67 : memref<640x32xf32, #tpu.memory_space<hbm>>) target_semaphore(%run_scoped3A : memref<!tpu.dma_semaphore, #tpu.memory_space<semaphore_mem>>)
      %dma_wait3A_68 = arith.constant 0 : i32
      %dma_wait3A_69 = tpu.memref_slice %arg5[%arg0, %mul3A_61, %dma_wait3A_68] : memref<2x10240x32xf32, #tpu.memory_space<hbm>> -> memref<1x640x32xf32, #tpu.memory_space<hbm>>
      %dma_wait3A_70 = tpu.memref_squeeze %dma_wait3A_69 : memref<1x640x32xf32, #tpu.memory_space<hbm>> -> memref<640x32xf32, #tpu.memory_space<hbm>>
      %dma_wait3A_71 = arith.constant 0 : i32
      %dma_wait3A_72 = tpu.memref_slice %arg5[%arg0, %mul3A_61, %dma_wait3A_71] : memref<2x10240x32xf32, #tpu.memory_space<hbm>> -> memref<1x640x32xf32, #tpu.memory_space<hbm>>
      %dma_wait3A_73 = tpu.memref_squeeze %dma_wait3A_72 : memref<1x640x32xf32, #tpu.memory_space<hbm>> -> memref<640x32xf32, #tpu.memory_space<hbm>>
      tpu.wait_dma2 semaphore(%run_scoped3A : memref<!tpu.dma_semaphore, #tpu.memory_space<semaphore_mem>>) src(%arg10 : memref<640x32xf32, #tpu.memory_space<vmem>>) dst(%dma_wait3A_73 : memref<640x32xf32, #tpu.memory_space<hbm>>)
      tpu.yield
    }) : () -> ()
    return
  }
}

module attributes {stable_mosaic.version = 14 : i64} {
  func.func @_proj_body(%arg0: i32, %arg1: memref<10000x128xf32, #tpu.memory_space<vmem>>, %arg2: memref<128x32xf32, #tpu.memory_space<vmem>>, %arg3: memref<2x10000x1xf32, #tpu.memory_space<vmem>>, %arg4: memref<10000x32xf32, #tpu.memory_space<vmem>>, %arg5: memref<10000x1xf32, #tpu.memory_space<vmem>>) attributes {dimension_semantics = [#tpu.dimension_semantics<arbitrary>], iteration_bounds = array<i64: 1>, scalar_prefetch = 0 : i64, scratch_operands = 0 : i64, tpu.core_type = #tpu.core_type<tc>, window_params = [{pipeline_mode = #tpu.pipeline_mode<synchronous>, transform_indices = @transform_0, window_bounds = array<i64: 10000, 128>}, {pipeline_mode = #tpu.pipeline_mode<synchronous>, transform_indices = @transform_1, window_bounds = array<i64: 128, 32>}, {transform_indices = @transform_2, window_bounds = array<i64: 2, 10000, 1>}, {pipeline_mode = #tpu.pipeline_mode<synchronous>, transform_indices = @transform_3, window_bounds = array<i64: 10000, 32>}, {pipeline_mode = #tpu.pipeline_mode<synchronous>, transform_indices = @transform_4, window_bounds = array<i64: 10000, 1>}]} {
    %get3A = arith.constant 0 : index
    %get3A_0 = arith.constant 0 : index
    %get3A_1 = arith.constant 0 : index
    %get3A_2 = vector.load %arg3[%get3A, %get3A_0, %get3A_1] : memref<2x10000x1xf32, #tpu.memory_space<vmem>>, vector<1x10000x1xf32>
    %get3A_3 = vector.shape_cast %get3A_2 : vector<1x10000x1xf32> to vector<10000x1xf32>
    %get3A_4 = arith.constant 1 : index
    %get3A_5 = arith.constant 0 : index
    %get3A_6 = arith.constant 0 : index
    %get3A_7 = vector.load %arg3[%get3A_4, %get3A_5, %get3A_6] : memref<2x10000x1xf32, #tpu.memory_space<vmem>>, vector<1x10000x1xf32>
    %get3A_8 = vector.shape_cast %get3A_7 : vector<1x10000x1xf32> to vector<10000x1xf32>
    %add3A = arith.addf %get3A_3, %get3A_8 : vector<10000x1xf32>
    %add3A_9 = arith.constant 1.000000e+00 : f32
    %add3A_10 = vector.broadcast %add3A_9 : f32 to vector<10000x1xf32>
    %add3A_11 = arith.addf %add3A, %add3A_10 : vector<10000x1xf32>
    %rsqrt3A = math.rsqrt %add3A_11 : vector<10000x1xf32>
    %get3A_12 = arith.constant 0 : index
    %get3A_13 = arith.constant 0 : index
    %get3A_14 = vector.load %arg1[%get3A_12, %get3A_13] : memref<10000x128xf32, #tpu.memory_space<vmem>>, vector<10000x128xf32>
    %get3A_15 = arith.constant 0 : index
    %get3A_16 = arith.constant 0 : index
    %get3A_17 = vector.load %arg2[%get3A_15, %get3A_16] : memref<128x32xf32, #tpu.memory_space<vmem>>, vector<128x32xf32>
    %dot_general3A = arith.constant dense<0.000000e+00> : vector<10000x32xf32>
    %dot_general3A_18 = tpu.matmul %get3A_14, %get3A_17, %dot_general3A {dimension_numbers = #tpu.dot_dimension_numbers<[1], [0], [0], [1], [0, 0, 1, 1], [], []>, transpose_lhs_hint = false} : vector<10000x128xf32>, vector<128x32xf32>, vector<10000x32xf32> -> vector<10000x32xf32>
    %mul3A = vector.broadcast %rsqrt3A : vector<10000x1xf32> to vector<10000x32xf32>
    %mul3A_19 = arith.mulf %dot_general3A_18, %mul3A : vector<10000x32xf32>
    %swap3A = arith.constant 0 : index
    %swap3A_20 = arith.constant 0 : index
    %swap3A_21 = vector.load %arg4[%swap3A, %swap3A_20] : memref<10000x32xf32, #tpu.memory_space<vmem>>, vector<10000x32xf32>
    tpu.vector_store %arg4[%swap3A, %swap3A_20], %mul3A_19 {strides = array<i32>} : memref<10000x32xf32, #tpu.memory_space<vmem>>, vector<10000x32xf32>,
    %swap3A_22 = arith.constant 0 : index
    %swap3A_23 = arith.constant 0 : index
    %swap3A_24 = vector.load %arg5[%swap3A_22, %swap3A_23] : memref<10000x1xf32, #tpu.memory_space<vmem>>, vector<10000x1xf32>
    tpu.vector_store %arg5[%swap3A_22, %swap3A_23], %rsqrt3A {strides = array<i32>} : memref<10000x1xf32, #tpu.memory_space<vmem>>, vector<10000x1xf32>,
    return
  }
  func.func @transform_0(%arg0: i32) -> (i32, i32) {
    %c0_i32 = arith.constant 0 : i32
    %c0_i32_0 = arith.constant 0 : i32
    %c0_i32_1 = arith.constant 0 : i32
    return %c0_i32, %c0_i32_0 : i32, i32
  }
  func.func @transform_1(%arg0: i32) -> (i32, i32) {
    %c0_i32 = arith.constant 0 : i32
    %c0_i32_0 = arith.constant 0 : i32
    %c0_i32_1 = arith.constant 0 : i32
    return %c0_i32, %c0_i32_0 : i32, i32
  }
  func.func @transform_2(%arg0: i32) -> (i32, i32, i32) {
    %c0_i32 = arith.constant 0 : i32
    %c0_i32_0 = arith.constant 0 : i32
    %c0_i32_1 = arith.constant 0 : i32
    %c0_i32_2 = arith.constant 0 : i32
    return %c0_i32, %c0_i32_0, %c0_i32_1 : i32, i32, i32
  }
  func.func @transform_3(%arg0: i32) -> (i32, i32) {
    %c0_i32 = arith.constant 0 : i32
    %c0_i32_0 = arith.constant 0 : i32
    %c0_i32_1 = arith.constant 0 : i32
    return %c0_i32, %c0_i32_0 : i32, i32
  }
  func.func @transform_4(%arg0: i32) -> (i32, i32) {
    %c0_i32 = arith.constant 0 : i32
    %c0_i32_0 = arith.constant 0 : i32
    %c0_i32_1 = arith.constant 0 : i32
    return %c0_i32, %c0_i32_0 : i32, i32
  }
}

module attributes {stable_mosaic.version = 14 : i64} {
  func.func @_enc_body(%arg0: i32, %arg1: memref<2x10000x32xf32, #tpu.memory_space<vmem>>, %arg2: memref<10000x32xf32, #tpu.memory_space<vmem>>, %arg3: memref<10000x1xf32, #tpu.memory_space<vmem>>, %arg4: memref<1x32xf32, #tpu.memory_space<vmem>>, %arg5: memref<32x32xf32, #tpu.memory_space<vmem>>, %arg6: memref<10000x32xf32, #tpu.memory_space<vmem>>) attributes {dimension_semantics = [#tpu.dimension_semantics<arbitrary>], iteration_bounds = array<i64: 1>, scalar_prefetch = 0 : i64, scratch_operands = 0 : i64, tpu.core_type = #tpu.core_type<tc>, window_params = [{transform_indices = @transform_0, window_bounds = array<i64: 2, 10000, 32>}, {pipeline_mode = #tpu.pipeline_mode<synchronous>, transform_indices = @transform_1, window_bounds = array<i64: 10000, 32>}, {pipeline_mode = #tpu.pipeline_mode<synchronous>, transform_indices = @transform_2, window_bounds = array<i64: 10000, 1>}, {pipeline_mode = #tpu.pipeline_mode<synchronous>, transform_indices = @transform_3, window_bounds = array<i64: 1, 32>}, {pipeline_mode = #tpu.pipeline_mode<synchronous>, transform_indices = @transform_4, window_bounds = array<i64: 32, 32>}, {pipeline_mode = #tpu.pipeline_mode<synchronous>, transform_indices = @transform_5, window_bounds = array<i64: 10000, 32>}]} {
    %get3A = arith.constant 0 : index
    %get3A_0 = arith.constant 0 : index
    %get3A_1 = vector.load %arg3[%get3A, %get3A_0] : memref<10000x1xf32, #tpu.memory_space<vmem>>, vector<10000x1xf32>
    %get3A_2 = arith.constant 0 : index
    %get3A_3 = arith.constant 0 : index
    %get3A_4 = arith.constant 0 : index
    %get3A_5 = vector.load %arg1[%get3A_2, %get3A_3, %get3A_4] : memref<2x10000x32xf32, #tpu.memory_space<vmem>>, vector<1x10000x32xf32>
    %get3A_6 = vector.shape_cast %get3A_5 : vector<1x10000x32xf32> to vector<10000x32xf32>
    %get3A_7 = arith.constant 1 : index
    %get3A_8 = arith.constant 0 : index
    %get3A_9 = arith.constant 0 : index
    %get3A_10 = vector.load %arg1[%get3A_7, %get3A_8, %get3A_9] : memref<2x10000x32xf32, #tpu.memory_space<vmem>>, vector<1x10000x32xf32>
    %get3A_11 = vector.shape_cast %get3A_10 : vector<1x10000x32xf32> to vector<10000x32xf32>
    %add3A = arith.addf %get3A_6, %get3A_11 : vector<10000x32xf32>
    %get3A_12 = arith.constant 0 : index
    %get3A_13 = arith.constant 0 : index
    %get3A_14 = vector.load %arg2[%get3A_12, %get3A_13] : memref<10000x32xf32, #tpu.memory_space<vmem>>, vector<10000x32xf32>
    %add3A_15 = arith.addf %add3A, %get3A_14 : vector<10000x32xf32>
    %mul3A = vector.broadcast %get3A_1 : vector<10000x1xf32> to vector<10000x32xf32>
    %mul3A_16 = arith.mulf %add3A_15, %mul3A : vector<10000x32xf32>
    %get3A_17 = arith.constant 0 : index
    %get3A_18 = arith.constant 0 : index
    %get3A_19 = vector.load %arg4[%get3A_17, %get3A_18] : memref<1x32xf32, #tpu.memory_space<vmem>>, vector<1x32xf32>
    %add3A_20 = vector.broadcast %get3A_19 : vector<1x32xf32> to vector<10000x32xf32>
    %add3A_21 = arith.addf %mul3A_16, %add3A_20 : vector<10000x32xf32>
    %max3A = arith.constant 0.000000e+00 : f32
    %max3A_22 = vector.broadcast %max3A : f32 to vector<10000x32xf32>
    %max3A_23 = arith.maximumf %add3A_21, %max3A_22 : vector<10000x32xf32>
    %get3A_24 = arith.constant 0 : index
    %get3A_25 = arith.constant 0 : index
    %get3A_26 = vector.load %arg5[%get3A_24, %get3A_25] : memref<32x32xf32, #tpu.memory_space<vmem>>, vector<32x32xf32>
    %dot_general3A = arith.constant dense<0.000000e+00> : vector<10000x32xf32>
    %dot_general3A_27 = tpu.matmul %max3A_23, %get3A_26, %dot_general3A {dimension_numbers = #tpu.dot_dimension_numbers<[1], [0], [0], [1], [0, 0, 1, 1], [], []>, transpose_lhs_hint = false} : vector<10000x32xf32>, vector<32x32xf32>, vector<10000x32xf32> -> vector<10000x32xf32>
    %mul3A_28 = vector.broadcast %get3A_1 : vector<10000x1xf32> to vector<10000x32xf32>
    %mul3A_29 = arith.mulf %dot_general3A_27, %mul3A_28 : vector<10000x32xf32>
    %swap3A = arith.constant 0 : index
    %swap3A_30 = arith.constant 0 : index
    %swap3A_31 = vector.load %arg6[%swap3A, %swap3A_30] : memref<10000x32xf32, #tpu.memory_space<vmem>>, vector<10000x32xf32>
    tpu.vector_store %arg6[%swap3A, %swap3A_30], %mul3A_29 {strides = array<i32>} : memref<10000x32xf32, #tpu.memory_space<vmem>>, vector<10000x32xf32>,
    return
  }
  func.func @transform_0(%arg0: i32) -> (i32, i32, i32) {
    %c0_i32 = arith.constant 0 : i32
    %c0_i32_0 = arith.constant 0 : i32
    %c0_i32_1 = arith.constant 0 : i32
    %c0_i32_2 = arith.constant 0 : i32
    return %c0_i32, %c0_i32_0, %c0_i32_1 : i32, i32, i32
  }
  func.func @transform_1(%arg0: i32) -> (i32, i32) {
    %c0_i32 = arith.constant 0 : i32
    %c0_i32_0 = arith.constant 0 : i32
    %c0_i32_1 = arith.constant 0 : i32
    return %c0_i32, %c0_i32_0 : i32, i32
  }
  func.func @transform_2(%arg0: i32) -> (i32, i32) {
    %c0_i32 = arith.constant 0 : i32
    %c0_i32_0 = arith.constant 0 : i32
    %c0_i32_1 = arith.constant 0 : i32
    return %c0_i32, %c0_i32_0 : i32, i32
  }
  func.func @transform_3(%arg0: i32) -> (i32, i32) {
    %c0_i32 = arith.constant 0 : i32
    %c0_i32_0 = arith.constant 0 : i32
    %c0_i32_1 = arith.constant 0 : i32
    return %c0_i32, %c0_i32_0 : i32, i32
  }
  func.func @transform_4(%arg0: i32) -> (i32, i32) {
    %c0_i32 = arith.constant 0 : i32
    %c0_i32_0 = arith.constant 0 : i32
    %c0_i32_1 = arith.constant 0 : i32
    return %c0_i32, %c0_i32_0 : i32, i32
  }
  func.func @transform_5(%arg0: i32) -> (i32, i32) {
    %c0_i32 = arith.constant 0 : i32
    %c0_i32_0 = arith.constant 0 : i32
    %c0_i32_1 = arith.constant 0 : i32
    return %c0_i32, %c0_i32_0 : i32, i32
  }
}

module attributes {stable_mosaic.version = 14 : i64} {
  func.func @_head_body(%arg0: i32, %arg1: memref<2x10000x32xf32, #tpu.memory_space<vmem>>, %arg2: memref<10000x32xf32, #tpu.memory_space<vmem>>, %arg3: memref<10000x1xf32, #tpu.memory_space<vmem>>, %arg4: memref<1x32xf32, #tpu.memory_space<vmem>>, %arg5: memref<10000x16xf32, #tpu.memory_space<vmem>>, %arg6: memref<10000x16xf32, #tpu.memory_space<vmem>>, %arg7: memref<10000x16xf32, #tpu.memory_space<vmem>>, %arg8: memref<10000x16xf32, #tpu.memory_space<vmem>>) attributes {dimension_semantics = [#tpu.dimension_semantics<arbitrary>], iteration_bounds = array<i64: 1>, scalar_prefetch = 0 : i64, scratch_operands = 0 : i64, tpu.core_type = #tpu.core_type<tc>, window_params = [{transform_indices = @transform_0, window_bounds = array<i64: 2, 10000, 32>}, {pipeline_mode = #tpu.pipeline_mode<synchronous>, transform_indices = @transform_1, window_bounds = array<i64: 10000, 32>}, {pipeline_mode = #tpu.pipeline_mode<synchronous>, transform_indices = @transform_2, window_bounds = array<i64: 10000, 1>}, {pipeline_mode = #tpu.pipeline_mode<synchronous>, transform_indices = @transform_3, window_bounds = array<i64: 1, 32>}, {pipeline_mode = #tpu.pipeline_mode<synchronous>, transform_indices = @transform_4, window_bounds = array<i64: 10000, 16>}, {pipeline_mode = #tpu.pipeline_mode<synchronous>, transform_indices = @transform_5, window_bounds = array<i64: 10000, 16>}, {pipeline_mode = #tpu.pipeline_mode<synchronous>, transform_indices = @transform_6, window_bounds = array<i64: 10000, 16>}, {pipeline_mode = #tpu.pipeline_mode<synchronous>, transform_indices = @transform_7, window_bounds = array<i64: 10000, 16>}]} {
    %get3A = arith.constant 0 : index
    %get3A_0 = arith.constant 0 : index
    %get3A_1 = arith.constant 0 : index
    %get3A_2 = vector.load %arg1[%get3A, %get3A_0, %get3A_1] : memref<2x10000x32xf32, #tpu.memory_space<vmem>>, vector<1x10000x32xf32>
    %get3A_3 = vector.shape_cast %get3A_2 : vector<1x10000x32xf32> to vector<10000x32xf32>
    %get3A_4 = arith.constant 1 : index
    %get3A_5 = arith.constant 0 : index
    %get3A_6 = arith.constant 0 : index
    %get3A_7 = vector.load %arg1[%get3A_4, %get3A_5, %get3A_6] : memref<2x10000x32xf32, #tpu.memory_space<vmem>>, vector<1x10000x32xf32>
    %get3A_8 = vector.shape_cast %get3A_7 : vector<1x10000x32xf32> to vector<10000x32xf32>
    %add3A = arith.addf %get3A_3, %get3A_8 : vector<10000x32xf32>
    %get3A_9 = arith.constant 0 : index
    %get3A_10 = arith.constant 0 : index
    %get3A_11 = vector.load %arg2[%get3A_9, %get3A_10] : memref<10000x32xf32, #tpu.memory_space<vmem>>, vector<10000x32xf32>
    %add3A_12 = arith.addf %add3A, %get3A_11 : vector<10000x32xf32>
    %get3A_13 = arith.constant 0 : index
    %get3A_14 = arith.constant 0 : index
    %get3A_15 = vector.load %arg3[%get3A_13, %get3A_14] : memref<10000x1xf32, #tpu.memory_space<vmem>>, vector<10000x1xf32>
    %mul3A = vector.broadcast %get3A_15 : vector<10000x1xf32> to vector<10000x32xf32>
    %mul3A_16 = arith.mulf %add3A_12, %mul3A : vector<10000x32xf32>
    %get3A_17 = arith.constant 0 : index
    %get3A_18 = arith.constant 0 : index
    %get3A_19 = vector.load %arg4[%get3A_17, %get3A_18] : memref<1x32xf32, #tpu.memory_space<vmem>>, vector<1x32xf32>
    %add3A_20 = vector.broadcast %get3A_19 : vector<1x32xf32> to vector<10000x32xf32>
    %add3A_21 = arith.addf %mul3A_16, %add3A_20 : vector<10000x32xf32>
    %slice3A = vector.extract_strided_slice %add3A_21 {offsets = [0, 0], sizes = [10000, 16], strides = [1, 1]} : vector<10000x32xf32> to vector<10000x16xf32>
    %slice3A_22 = vector.extract_strided_slice %add3A_21 {offsets = [0, 16], sizes = [10000, 16], strides = [1, 1]} : vector<10000x32xf32> to vector<10000x16xf32>
    %swap3A = arith.constant 0 : index
    %swap3A_23 = arith.constant 0 : index
    %swap3A_24 = vector.load %arg6[%swap3A, %swap3A_23] : memref<10000x16xf32, #tpu.memory_space<vmem>>, vector<10000x16xf32>
    tpu.vector_store %arg6[%swap3A, %swap3A_23], %slice3A {strides = array<i32>} : memref<10000x16xf32, #tpu.memory_space<vmem>>, vector<10000x16xf32>,
    %swap3A_25 = arith.constant 0 : index
    %swap3A_26 = arith.constant 0 : index
    %swap3A_27 = vector.load %arg7[%swap3A_25, %swap3A_26] : memref<10000x16xf32, #tpu.memory_space<vmem>>, vector<10000x16xf32>
    tpu.vector_store %arg7[%swap3A_25, %swap3A_26], %slice3A_22 {strides = array<i32>} : memref<10000x16xf32, #tpu.memory_space<vmem>>, vector<10000x16xf32>,
    %get3A_28 = arith.constant 0 : index
    %get3A_29 = arith.constant 0 : index
    %get3A_30 = vector.load %arg5[%get3A_28, %get3A_29] : memref<10000x16xf32, #tpu.memory_space<vmem>>, vector<10000x16xf32>
    %exp3A = math.exp %slice3A_22 : vector<10000x16xf32>
    %mul3A_31 = arith.mulf %get3A_30, %exp3A : vector<10000x16xf32>
    %add3A_32 = arith.addf %slice3A, %mul3A_31 : vector<10000x16xf32>
    %swap3A_33 = arith.constant 0 : index
    %swap3A_34 = arith.constant 0 : index
    %swap3A_35 = vector.load %arg8[%swap3A_33, %swap3A_34] : memref<10000x16xf32, #tpu.memory_space<vmem>>, vector<10000x16xf32>
    tpu.vector_store %arg8[%swap3A_33, %swap3A_34], %add3A_32 {strides = array<i32>} : memref<10000x16xf32, #tpu.memory_space<vmem>>, vector<10000x16xf32>,
    return
  }
  func.func @transform_0(%arg0: i32) -> (i32, i32, i32) {
    %c0_i32 = arith.constant 0 : i32
    %c0_i32_0 = arith.constant 0 : i32
    %c0_i32_1 = arith.constant 0 : i32
    %c0_i32_2 = arith.constant 0 : i32
    return %c0_i32, %c0_i32_0, %c0_i32_1 : i32, i32, i32
  }
  func.func @transform_1(%arg0: i32) -> (i32, i32) {
    %c0_i32 = arith.constant 0 : i32
    %c0_i32_0 = arith.constant 0 : i32
    %c0_i32_1 = arith.constant 0 : i32
    return %c0_i32, %c0_i32_0 : i32, i32
  }
  func.func @transform_2(%arg0: i32) -> (i32, i32) {
    %c0_i32 = arith.constant 0 : i32
    %c0_i32_0 = arith.constant 0 : i32
    %c0_i32_1 = arith.constant 0 : i32
    return %c0_i32, %c0_i32_0 : i32, i32
  }
  func.func @transform_3(%arg0: i32) -> (i32, i32) {
    %c0_i32 = arith.constant 0 : i32
    %c0_i32_0 = arith.constant 0 : i32
    %c0_i32_1 = arith.constant 0 : i32
    return %c0_i32, %c0_i32_0 : i32, i32
  }
  func.func @transform_4(%arg0: i32) -> (i32, i32) {
    %c0_i32 = arith.constant 0 : i32
    %c0_i32_0 = arith.constant 0 : i32
    %c0_i32_1 = arith.constant 0 : i32
    return %c0_i32, %c0_i32_0 : i32, i32
  }
  func.func @transform_5(%arg0: i32) -> (i32, i32) {
    %c0_i32 = arith.constant 0 : i32
    %c0_i32_0 = arith.constant 0 : i32
    %c0_i32_1 = arith.constant 0 : i32
    return %c0_i32, %c0_i32_0 : i32, i32
  }
  func.func @transform_6(%arg0: i32) -> (i32, i32) {
    %c0_i32 = arith.constant 0 : i32
    %c0_i32_0 = arith.constant 0 : i32
    %c0_i32_1 = arith.constant 0 : i32
    return %c0_i32, %c0_i32_0 : i32, i32
  }
  func.func @transform_7(%arg0: i32) -> (i32, i32) {
    %c0_i32 = arith.constant 0 : i32
    %c0_i32_0 = arith.constant 0 : i32
    %c0_i32_1 = arith.constant 0 : i32
    return %c0_i32, %c0_i32_0 : i32, i32
  }
}

module attributes {stable_mosaic.version = 14 : i64} {
  func.func @_dec_body(%arg0: i32, %arg1: memref<400x16xf32, #tpu.memory_space<vmem>>, %arg2: memref<10000x16xf32, #tpu.memory_space<vmem>>, %arg3: memref<400x10000xf32, #tpu.memory_space<vmem>>) attributes {dimension_semantics = [#tpu.dimension_semantics<arbitrary>], iteration_bounds = array<i64: 25>, scalar_prefetch = 0 : i64, scratch_operands = 0 : i64, tpu.core_type = #tpu.core_type<tc>, window_params = [{transform_indices = @transform_0, window_bounds = array<i64: 400, 16>}, {pipeline_mode = #tpu.pipeline_mode<synchronous>, transform_indices = @transform_1, window_bounds = array<i64: 10000, 16>}, {transform_indices = @transform_2, window_bounds = array<i64: 400, 10000>}]} {
    %get3A = arith.constant 0 : index
    %get3A_0 = arith.constant 0 : index
    %get3A_1 = vector.load %arg1[%get3A, %get3A_0] : memref<400x16xf32, #tpu.memory_space<vmem>>, vector<400x16xf32>
    %get3A_2 = arith.constant 0 : index
    %get3A_3 = arith.constant 0 : index
    %get3A_4 = vector.load %arg2[%get3A_2, %get3A_3] : memref<10000x16xf32, #tpu.memory_space<vmem>>, vector<10000x16xf32>
    %dot_general3A = arith.constant dense<0.000000e+00> : vector<400x10000xf32>
    %dot_general3A_5 = tpu.matmul %get3A_1, %get3A_4, %dot_general3A {dimension_numbers = #tpu.dot_dimension_numbers<[1], [1], [0], [0], [0, 0, 1, 0], [], []>, transpose_lhs_hint = false} : vector<400x16xf32>, vector<10000x16xf32>, vector<400x10000xf32> -> vector<400x10000xf32>
    %swap3A = arith.constant 0 : index
    %swap3A_6 = arith.constant 0 : index
    %swap3A_7 = vector.load %arg3[%swap3A, %swap3A_6] : memref<400x10000xf32, #tpu.memory_space<vmem>>, vector<400x10000xf32>
    tpu.vector_store %arg3[%swap3A, %swap3A_6], %dot_general3A_5 {strides = array<i32>} : memref<400x10000xf32, #tpu.memory_space<vmem>>, vector<400x10000xf32>,
    return
  }
  func.func @transform_0(%arg0: i32) -> (i32, i32) {
    %c0_i32 = arith.constant 0 : i32
    %c0_i32_0 = arith.constant 0 : i32
    return %arg0, %c0_i32 : i32, i32
  }
  func.func @transform_1(%arg0: i32) -> (i32, i32) {
    %c0_i32 = arith.constant 0 : i32
    %c0_i32_0 = arith.constant 0 : i32
    %c0_i32_1 = arith.constant 0 : i32
    return %c0_i32, %c0_i32_0 : i32, i32
  }
  func.func @transform_2(%arg0: i32) -> (i32, i32) {
    %c0_i32 = arith.constant 0 : i32
    %c0_i32_0 = arith.constant 0 : i32
    return %arg0, %c0_i32 : i32, i32
  }
}

</mosaic_0001>

<sc_bundles>
// kernel: kernel.12.cloned.1.call-start
scs
__scs_entry_jumppad:
0x0: {  	(pc) =	sbr.rel $0x88, $3  }
0x1: {  	(tag) =	ssettag $0x0;
	lr =	simm.s32 $0x1  }
0x2: {  	[smem:$0x3F99] =	sst lr;
	_ =	strace $0xD0000000  }
0x3: {  	_ = 	snop  }
0x4: {  	_ = 	snop  }
0x5: {  	_ = 	snop  }
0x6: {  	_ = 	snop  }
0x7: {  	_ = 	snop  }
__scs_overlays_trampoline_lowered:
0x8: {  	[smem:$0x3FA8] =	sst s0  }
0x9: {  	[smem:$0x3FA9] =	sst s1  }
0xa: {  	[smem:$0x3FAA] =	sst s2  }
0xb: {  	[smem:$0x3FAB] =	sst s3  }
0xc: {  	[smem:$0x3FAC] =	sst s4  }
0xd: {  	[smem:$0x3FAD] =	sst s5  }
0xe: {  	[smem:$0x3FAE] =	sst s6  }
0xf: {  	[smem:$0x3FAF] =	sst s7  }
0x10: {  	[smem:$0x3FB0] =	sst s8  }
0x11: {  	[smem:$0x3FB1] =	sst s9;
	s0 =	simm.s32 @!p0 $0x0  }
0x12: {  	s1 =	sld [smem:$0x3F97];
	s0 =	simm.s32 @p0 $0x1  }
0x13: {  	[smem:$0x3FB2] =	sst s0;
	s0 =	simm.s32 @!p1 $0x0  }
0x14: {  	s2 =	sld [smem:$0x3F96];
	s0 =	simm.s32 @p1 $0x1  }
0x15: {  	[smem:$0x3FB3] =	sst s0;
	s0 =	simm.s32 @!p2 $0x0  }
0x16: {  	s3 =	sld [smem:$0x3FDB];
	s0 =	simm.s32 @p2 $0x1  }
0x17: {  	s4 =	simm.s32 $0x1BF5;
	[smem:$0x3FB5] =	sst s0  }
0x18: {  	s0 =	sld [smem:$0x3F98];
	_ =	swait.ge [sflag:s4], $0x0  }
0x19: {  	s7 =	sld [smem:$0x3F99]  }
0x1a: {  	s8 =	sadd.s32 $0xFFFFE003, lr  }
0x1b: {  	s9 =	sadd.s32 $0xFFFFFEF7, lr;
	s5 =	simm.s32 $0xFFFFFFFF;
	p2 =	slt.u32 s8, $0xFFFFF086  }
0x1c: {  	p1 =	slt.u32 s9, $0xF7A;
	s5 =	simm.s32 @!p2 $0x0  }
0x1d: {  	s5 =	simm.s32 @p1 $0x1;
	p0 =	seq.s32 s7, s2  }
0x1e: {  	s7 =	smul.u32 @!p0 $0xF7A, s2;
	p2 =	seq.s32 @!p0 s5, $0x0  }
0x1f: {  	s9 =	smul.u32 $0xF7A, s1;
	s8 =	simm.s32 @!p0 $0x1BF5;
	p2 =	por !p2, p0  }
0x20: {  	[sflag:s8] =	ssyncset.s32 @!p0 $0xFFFFF086;
	s6 =	sadd.s32 @!p0 s3, s7;
	s7 =	simm.s32 @!p0 $0x108  }
0x21: {  	s3 =	sadd.s32 s3, s9;
	s6 =	sadd.s32 @!p0 $0x88, s6;
	s7 =	simm.s32 @p2 $0x1082  }
0x22: {  	[simem:s7], [sflag:s8] =	dma.local @!p0 [hbm:s6], $0xF7A  }
0x23: {  	s9 =	sor.u32 $0xD0000000, s2;
	s6 =	simm.s32 $0x108;
	_ =	swait.ge @!p0 [sflag:s8], $0x0  }
0x24: {  	s3 =	sadd.s32 $0x88, s3;
	s6 =	simm.s32 @!p1 $0x1082;
	[sflag:s4] =	ssyncset.s32 $0xFFFFF086  }
0x25: {  	[simem:s6], [sflag:s4] =	dma.local [hbm:s3], $0xF7A  }
0x26: {  	[smem:$0x3F99] =	sst s1;
	(tag) =	ssettag s2;
	_ =	strace s9  }
0x27: {  	s1 =	sld [smem:$0x3FA9]  }
0x28: {  	s2 =	sld [smem:$0x3FAA]  }
0x29: {  	s4 =	sld [smem:$0x3FAC]  }
0x2a: {  	p0 =	seq.s32 s5, $0x0;
	s5 =	sld [smem:$0x3FAD]  }
0x2b: {  	s6 =	sld [smem:$0x3FAE]  }
0x2c: {  	s7 =	sld [smem:$0x3FAF]  }
0x2d: {  	s3 =	simm.s32 $0x108;
	s8 =	sld [smem:$0x3FB0]  }
0x2e: {  	s3 =	simm.s32 @!p0 $0x1082;
	s9 =	sld [smem:$0x3FB1]  }
0x2f: {  	lr =	sadd.s32 s0, s3;
	s0 =	sld [smem:$0x3FA8]  }
0x30: {  	s3 =	sld [smem:$0x3FAB]  }
0x31: {  	[smem:$0x3FB4] =	sst s10  }
0x32: {  	s10 =	sld [smem:$0x3FB2];
	_ =	sdelay $0x3  }
0x33: {  	p0 =	seq.s32 s10, $0x1;
	s10 =	sld [smem:$0x3FB4];
	_ =	sdelay $0x3  }
0x34: {  	[smem:$0x3FB4] =	sst s10  }
0x35: {  	s10 =	sld [smem:$0x3FB3];
	_ =	sdelay $0x3  }
0x36: {  	p1 =	seq.s32 s10, $0x1;
	s10 =	sld [smem:$0x3FB4];
	_ =	sdelay $0x3  }
0x37: {  	[smem:$0x3FB4] =	sst s10  }
0x38: {  	s10 =	sld [smem:$0x3FB5]  }
0x39: {  	_ = 	snop;
	(pc) =	sbr.ind lr, $3  }
0x3a: {  	_ = 	snop  }
0x3b: {  	_ = 	snop  }
0x3c: {  	p2 =	seq.s32 s10, $0x1;
	s10 =	sld [smem:$0x3FB4]  }
0x3d: {  	_ =	shalt  }
0x3e: {  	_ =	shalt  }
0x3f: {  	_ =	shalt  }
0x40: {  	_ =	shalt  }
0x41: {  	_ =	shalt  }
0x42: {  	_ =	shalt  }
0x43: {  	_ =	shalt  }
0x44: {  	_ =	shalt  }
0x45: {  	_ =	shalt  }
0x46: {  	_ =	shalt  }
0x47: {  	_ =	shalt  }
0x48: {  	_ =	shalt  }
0x49: {  	_ =	shalt  }
0x4a: {  	_ =	shalt  }
0x4b: {  	_ =	shalt  }
0x4c: {  	_ =	shalt  }
0x4d: {  	_ =	shalt  }
0x4e: {  	_ =	shalt  }
0x4f: {  	_ =	shalt  }
0x50: {  	_ =	shalt  }
0x51: {  	_ =	shalt  }
0x52: {  	_ =	shalt  }
0x53: {  	_ =	shalt  }
0x54: {  	_ =	shalt  }
0x55: {  	_ =	shalt  }
0x56: {  	_ =	shalt  }
0x57: {  	_ =	shalt  }
0x58: {  	_ =	shalt  }
0x59: {  	_ =	shalt  }
0x5a: {  	_ =	shalt  }
0x5b: {  	_ =	shalt  }
0x5c: {  	_ =	shalt  }
0x5d: {  	_ =	shalt  }
0x5e: {  	_ =	shalt  }
0x5f: {  	_ =	shalt  }
0x60: {  	_ =	shalt  }
0x61: {  	_ =	shalt  }
0x62: {  	_ =	shalt  }
0x63: {  	_ =	shalt  }
0x64: {  	_ =	shalt  }
0x65: {  	_ =	shalt  }
0x66: {  	_ =	shalt  }
0x67: {  	_ =	shalt  }
0x68: {  	_ =	shalt  }
0x69: {  	_ =	shalt  }
0x6a: {  	_ =	shalt  }
0x6b: {  	_ =	shalt  }
0x6c: {  	_ =	shalt  }
0x6d: {  	_ =	shalt  }
0x6e: {  	_ =	shalt  }
0x6f: {  	_ =	shalt  }
0x70: {  	_ =	shalt  }
0x71: {  	_ =	shalt  }
0x72: {  	_ =	shalt  }
0x73: {  	_ =	shalt  }
0x74: {  	_ =	shalt  }
0x75: {  	_ =	shalt  }
0x76: {  	_ =	shalt  }
0x77: {  	_ =	shalt  }
0x78: {  	_ =	shalt  }
0x79: {  	_ =	shalt  }
0x7a: {  	_ =	shalt  }
0x7b: {  	_ =	shalt  }
0x7c: {  	_ =	shalt  }
0x7d: {  	_ =	shalt  }
0x7e: {  	_ =	shalt  }
0x7f: {  	_ =	shalt  }
0x80: {  	_ =	shalt  }
0x81: {  	_ =	shalt  }
0x82: {  	_ =	shalt  }
0x83: {  	_ =	shalt  }
0x84: {  	_ =	shalt  }
0x85: {  	_ =	shalt  }
0x86: {  	_ =	shalt  }
0x87: {  	_ =	shalt  }
.Lfunc_end0:
.L_simem_size_0:
called_computation.1_lowered:
.L_overlay_start_0:
0x88: {  	s2 =	sld [smem:$0x3FD9]  }
0x89: {  	s3 =	sld [smem:$0x3FFE];
	_ =	sdelay $0x1  }
0x8a: {  	s1 =	srdreg.scid  }
0x8b: {  	s0 =	sand.u32 $0x1, s1  }
0x8c: {  	s14 =	sshll.u32 s0, $0xA;
	s2 =	sadd.s32 s3, s2  }
0x8d: {  	s2 =	sadd.s32 s2, s14  }
0x8e: {  	[smem:$0x3FC0] =	sst s2  }
0x8f: {  	_ = 	snop  }
0x90: {  	s2 =	sld [smem:$0x3FD0];
	_ =	sdelay $0x2  }
0x91: {  	s15 =	simm.s32 $0xA;
	s4 =	simm.s32 $0x10  }
0x92: {  	[smem:s4], [sflag:s15] =	dma.local [hbm:s2], $0x1  }
0x93: {  	_ =	swait.eq [sflag:s15], $0x1  }
0x94: {  	[sflag:s15] =	ssyncset.done $0x0  }
0x95: {  	[sflag:s15] =	ssyncadd.s32 $0xFFFFFFFF  }
0x96: {  	s16 =	sld [smem:$0x10];
	(tm) =	ssettm $0x1  }
0x97: {  	s17 =	sld [smem:$0x3FFB];
	_ =	sdelay $0x3  }
0x98: {  	_ =	strace s17  }
0x99: {  	s3 =	sld [smem:$0x3FFC];
	_ =	sdelay $0x3  }
0x9a: {  	_ =	strace s3  }
0x9b: {  	s3 =	sld [smem:$0x3FFD];
	_ =	sdelay $0x3  }
0x9c: {  	_ =	strace s3  }
0x9d: {  	_ =	strace $0x8FFFFFFF  }
0x9e: {  	s18 =	sld [smem:$0x3FDB];
	_ =	sdelay $0x1  }
0x9f: {  	s19 =	simm.s32 $_scs_section_size  }
0xa0: {  	s5 =	simm.s32 $_size__tile_overlayer_lowered;
	s6 =	simm.s32 $_tile_overlayer_lowered  }
0xa1: {  	s22 =	simm.s32 $0x1BFF;
	s21 =	sshll.u32 s6, $0x1;
	s3 =	sadd.s32 s19, s18  }
0xa2: {  	s7 =	simm.s32 $0x0;
	s20 =	sshll.u32 s5, $0x1;
	s5 =	sadd.s32 s21, s3  }
0xa3: {  	[timem:s7], [sflag:s22] =	dma.local [hbm:s5], s20  }
0xa4: {  	_ =	swait.ge [sflag:s22], s20  }
0xa5: {  	s4 =	ssub.s32 $0x0, s20;
	[sflag:s22] =	ssyncset.done $0x0  }
0xa6: {  	[sflag:s22] =	ssyncadd.s32 s4;
	_ =	sdelay $0x1  }
0xa7: {  	s23 =	simm.s32 $0x1B8B  }
0xa8: {  	_ =	swait.ge [sflag:s23], $0x1  }
0xa9: {  	[sflag:s23] =	ssyncset.done $0x0  }
0xaa: {  	s25 =	simm.s32 $0x1B8E;
	s24 =	sld [smem:$0x3FFE];
	[sflag:s23] =	ssyncadd.s32 $0xFFFFFFFF  }
0xab: {  	s26 =	simm.s32 $execute0_lowered;
	[smem:$0x3FD2] =	sst s25  }
0xac: {  	s5 =	sshll.u32 s26, $0x1;
	_ =	strace $0x80000049;
	[dreg:$0x1] =	wrdreg $0xFFFFFFFF  }
0xad: {  	s28 =	simm.s32 $_size_execute0_lowered;
	s3 =	sadd.s32 s3, s5;
	[dreg:$0x0] =	wrdreg $0x0  }
0xae: {  	s5 =	sshll.u32 s28, $0x1;
	[dreg:$0x2] =	wrdreg s3  }
0xaf: {  	[dreg:$0x3] =	wrdreg s5  }
0xb0: {  	[dreg:$0x4] =	wrdreg $0xC0  }
0xb1: {  	_ =	task [dreg:s7], $0x5FFFF  }
0xb2: {  	[dreg:$0x1] =	wrdreg $0xFFFFFFFF  }
0xb3: {  	[dreg:$0x0] =	wrdreg $0x60  }
0xb4: {  	[dreg:$0x2] =	wrdreg s16  }
0xb5: {  	[dreg:$0x3] =	wrdreg s24  }
0xb6: {  	[dreg:$0x4] =	wrdreg $0x98000  }
0xb7: {  	[dreg:$0x5] =	wrdreg $0x9  }
0xb8: {  	_ =	task.clear_ibuf [dreg:s7], $0x6FFFF;
	_ =	strace $0x90000049  }
0xb9: {  	s29 =	simm.s32 $0x9;
	_ =	strace $0x8000004B  }
0xba: {  	_ =	swait.ge [sflag:s29], $0x1  }
0xbb: {  	[sflag:s29] =	ssyncadd.s32 $0xFFFFFFFF  }
0xbc: {  	_ =	strace $0x9000004B  }
0xbd: {  	_ =	sfence  }
0xbe: {  	s30 =	sld [smem:$0x0];
	_ =	sdelay $0x2  }
0xbf: {  	s31 =	sshll.u32 s1, $0xD;
	s1 =	sshrl.u32 s1, $0x2  }
0xc0: {  	s3 =	sand.u32 $0x4000, s31;
	s1 =	sadd.s32 s1, s30  }
0xc1: {  	s0 =	sor.u32 s3, s0;
	s1 =	sshll.u32 s1, $0x11  }
0xc2: {  	s0 =	sor.u32 s1, s0  }
0xc3: {  	s0 =	sadd.s32 $0x8F2B, s0  }
0xc4: {  	[sflag:s0] =	ssyncadd.remote.s32 $0x1  }
0xc5: {  	_ =	sfence.sel $0xFFFF  }
0xc6: {  	[dreg:$0x0] =	wrdreg $0xFFFFFFFF;
	(pc) =	sbr.abs _section_cstart, $3  }
0xc7: {  	[dreg:$0x1] =	wrdreg $0xFFFFFFFF  }
0xc8: {  	_ =	task.clear_ibuf [dreg:s7], $0x2FFFF;
	_ =	strace $0x9FFFFFFF  }
0xc9: {  	(tm) =	ssettm $0x7FFFFFFF  }
tec
execute0_lowered:
.L_overlay_start_1:
0x0: {  	(tag) =	ssettag $0x1  }
0x1: {  	s2 =	rddreg [dreg:$0x0]  }
0x2: {  	s5 =	rddreg [dreg:$0x1]  }
0x3: {  	s3 =	rddreg [dreg:$0x2];
	s4 =	srdreg.scid  }
0x4: {  	s1 =	stileid.u32;
	s0 =	rddreg [dreg:$0x3];
	s11 =	simm.s32 $0x4800  }
0x5: {  	s12 =	simm.s32 $0x4;
	s13 =	simm.s32 $0x3;
	s14 =	simm.s32 $0x2800  }
0x6: {  	s15 =	simm.s32 $0x1;
	s16 =	simm.s32 $0x80;
	s17 =	simm.s32 $0x3800  }
0x7: {  	s18 =	simm.s32 $0x2;
	s19 =	simm.s32 $0x0;
	s6 =	sand.u32 $0x1, s4  }
0x8: {  	s7 =	smul.u32 $0x5000, s1;
	s4 =	simm.s32 $0x0;
	s8 =	sshll.u32 s6, $0x4  }
0x9: {  	s9 =	smul.u32 $0x50000, s6;
	s6 =	ssub.s32 $0x2, s6;
	s8 =	sor.u32 s1, s8  }
0xa: {  	[smem:$0x7FF] =	sst s4;
	s10 =	sshrl.u32 s6, $0x1;
	s8 =	smul.u32 $0x280, s8  }
0xb: {  	_ =	strace $0x8000004A;
	s9 =	sadd.s32 s7, s9;
	s10 =	ssub.s32 s6, s10  }
0xc: {  	s7 =	sadd.s32 s7, s3;
	s9 =	sshrl.u32 s9, $0x3;
	s8 =	sadd.s32 s8, s5  }
0xd: {  	s9 =	sadd.s32 s9, s5;
	s5 =	sadd.s32 $0x6E00, s8;
	s6 =	sadd.s32 $0x1E00, s8  }
0xe: {  	v0 =	vimm.f32 $0.0e+00;
	s8 =	sadd.s32 $0x33000, s9;
	s9 =	smax.u32 s10, $0x1;
	s10 =	simm.s32 $0x1400  }
.LBB2_1:
0xf: {  	[tilespmem:s4], [sflag:$0x3] =	stream.linear.gather [hbm4b:s5+s4], $0x1400, $0x38;
	[tilespmem:$0xE800] =	vst v63  }
0x10: {  	s20 =	simm.s32 $0x80;
	s21 =	simm.s32 $0x0  }
0x11: {  	[tilespmem:s10], [sflag:$0x3] =	stream.linear.gather [hbm4b:s6+s4], $0x1400, $0x38;
	[tilespmem:$0xE800] =	vst v63  }
.LBB2_2:
0x12: {  	p0 =	sne.s32 s20, $0x13F80;
	[tilespmem:s21+$0x4800] =	vst v0;
	s22 =	smov.u32 s20;
	s20 =	sadd.s32 $0x80, s20  }
.Ltmp0:
0x13: {  	[tilespmem:s21+$0x4810] =	vst v0;
	(pc) =	sbr.rel @p0 .LBB2_2-.Ltmp0, $2  }
0x14: {  	_ =	sdelay $0x2  }
0x15: {  	s21 =	sshra.s32 s22, $0x2  }
0x16: {  	[tilespmem:s21+$0x4800] =	vst v0  }
0x17: {  	[tilespmem:s21+$0x4810] =	vst v0  }
0x18: {  	[spmem:s7] =	stream.linear.scatter [tilespmem:s11], [sflag:$0x4], $0x5000, $0x38;
	[tilespmem:$0xE800] =	vst v63  }
0x19: {  	_ =	swait.ge [sflag:s12], $0x5000  }
0x1a: {  	[sflag:s12] =	ssyncset.done $0x0  }
0x1b: {  	[sflag:s12] =	ssyncadd.s32 $0xFFFFB000  }
0x1c: {  	_ =	swait.ge [sflag:s13], $0x1400  }
0x1d: {  	[sflag:s13] =	ssyncset.done $0x0  }
0x1e: {  	[sflag:s13] =	ssyncadd.s32 $0xFFFFEC00  }
0x1f: {  	_ =	swait.ge [sflag:s13], $0x1400  }
0x20: {  	[sflag:s13] =	ssyncset.done $0x0  }
0x21: {  	s20 =	simm.s32 $0x80;
	s22 =	simm.s32 $0x0;
	[sflag:s13] =	ssyncadd.s32 $0xFFFFEC00  }
0x22: {  	[tilespmem:s14], [sflag:$0x1] =	stream.indirect.gather [hbm4b:s2+s20], $0x20, s22, s20, $0xb8;
	[tilespmem:$0xE800] =	vst v63  }
0x23: {  	[bflag:$0x0] =	sbarrier.arrive $0xFFFF  }
0x24: {  	_ =	swait.ge [sflag:s15], $0x1000  }
0x25: {  	[sflag:s15] =	ssyncset.done $0x0  }
0x26: {  	[sflag:s15] =	ssyncadd.s32 $0xFFFFF000  }
0x27: {  	[tilespmem:s17], [sflag:$0x2] =	stream.indirect.gather [hbm4b:s2+s16], $0x20, s20, s16, $0xb8;
	[tilespmem:$0xE800] =	vst v63  }
0x28: {  	s21 =	simm.s32 $0x1400  }
0x29: {  	[spmem:s3] =	stream.indirect.scatter.add.f32 [tilespmem:s14], [sflag:$0x4], $0x20, s21, s16, $0xb8;
	[tilespmem:$0xE800] =	vst v63  }
0x2a: {  	_ =	swait.ge [sflag:s12], $0x1000  }
0x2b: {  	[sflag:s12] =	ssyncset.done $0x0  }
0x2c: {  	[sflag:s12] =	ssyncadd.s32 $0xFFFFF000  }
0x2d: {  	s22 =	smin.u32 s22, $0x24;
	_ =	swait.ge [sflag:s18], $0x1000  }
0x2e: {  	s22 =	sshll.u32 s22, $0x7;
	[sflag:s18] =	ssyncset.done $0x0  }
0x2f: {  	s22 =	sadd.s32 $0x100, s22;
	[sflag:s18] =	ssyncadd.s32 $0xFFFFF000  }
0x30: {  	[tilespmem:s14], [sflag:$0x1] =	stream.indirect.gather [hbm4b:s2+s16], $0x20, s22, s16, $0xb8;
	[tilespmem:$0xE800] =	vst v63  }
0x31: {  	s31 =	simm.s32 $0x1480  }
0x32: {  	[spmem:s3] =	stream.indirect.scatter.add.f32 [tilespmem:s17], [sflag:$0x4], $0x20, s31, s16, $0xb8;
	[tilespmem:$0xE800] =	vst v63  }
0x33: {  	_ =	swait.ge [sflag:s12], $0x1000  }
0x34: {  	s22 =	simm.s32 $0x2;
	[sflag:s12] =	ssyncset.done $0x0  }
.LBB2_4:
0x35: {  	[sflag:s12] =	ssyncadd.s32 $0xFFFFF000;
	s21 =	sadd.s32 $0x100, s21;
	s20 =	sadd.s32 $0x100, s20  }
0x36: {  	p0 =	sne.s32 s22, $0x26;
	s23 =	smov.u32 s22;
	s22 =	sadd.s32 $0x2, s22  }
0x37: {  	_ =	swait.ge [sflag:s15], $0x1000  }
0x38: {  	[sflag:s15] =	ssyncset.done $0x0  }
0x39: {  	[sflag:s15] =	ssyncadd.s32 $0xFFFFF000  }
0x3a: {  	[tilespmem:s17], [sflag:$0x2] =	stream.indirect.gather [hbm4b:s2+s16], $0x20, s20, s16, $0xb8;
	[tilespmem:$0xE800] =	vst v63  }
0x3b: {  	_ = 	snop  }
0x3c: {  	[spmem:s3] =	stream.indirect.scatter.add.f32 [tilespmem:s14], [sflag:$0x4], $0x20, s21, s16, $0xb8;
	[tilespmem:$0xE800] =	vst v63  }
0x3d: {  	_ =	swait.ge [sflag:s12], $0x1000  }
0x3e: {  	[sflag:s12] =	ssyncset.done $0x0  }
0x3f: {  	[sflag:s12] =	ssyncadd.s32 $0xFFFFF000  }
0x40: {  	s23 =	smin.u32 s23, $0x24;
	_ =	swait.ge [sflag:s18], $0x1000  }
0x41: {  	s23 =	sshll.u32 s23, $0x7;
	[sflag:s18] =	ssyncset.done $0x0  }
0x42: {  	s23 =	sadd.s32 $0x100, s23;
	[sflag:s18] =	ssyncadd.s32 $0xFFFFF000  }
0x43: {  	[tilespmem:s14], [sflag:$0x1] =	stream.indirect.gather [hbm4b:s2+s16], $0x20, s23, s16, $0xb8;
	[tilespmem:$0xE800] =	vst v63  }
.Ltmp1:
0x44: {  	_ = 	snop;
	(pc) =	sbr.rel @p0 .LBB2_4-.Ltmp1, $4  }
0x45: {  	s23 =	sadd.s32 $0x80, s21  }
0x46: {  	[spmem:s3] =	stream.indirect.scatter.add.f32 [tilespmem:s17], [sflag:$0x4], $0x20, s23, s16, $0xb8;
	[tilespmem:$0xE800] =	vst v63  }
0x47: {  	_ =	swait.ge [sflag:s12], $0x1000  }
0x48: {  	[sflag:s12] =	ssyncset.done $0x0  }
0x49: {  	[sflag:s12] =	ssyncadd.s32 $0xFFFFF000  }
0x4a: {  	_ =	swait.ge [sflag:s15], $0x1000  }
0x4b: {  	[sflag:s15] =	ssyncset.done $0x0  }
0x4c: {  	[sflag:s15] =	ssyncadd.s32 $0xFFFFF000  }
0x4d: {  	[bflag:$0x0] =	sbarrier.arrive $0xFFFF  }
0x4e: {  	[tilespmem:s11], [sflag:$0x4] =	stream.linear.gather [spmem:s7], $0x5000, $0x38;
	[tilespmem:$0xE800] =	vst v63  }
0x4f: {  	s19 =	sadd.s32 $0x1, s19;
	_ =	swait.ge [sflag:s12], $0x5000  }
0x50: {  	p0 =	sne.s32 s19, s9;
	[sflag:s12] =	ssyncset.done $0x0  }
.Ltmp2:
0x51: {  	[sflag:s12] =	ssyncadd.s32 $0xFFFFB000;
	(pc) =	sbr.rel @p0 .LBB2_1-.Ltmp2, $4  }
0x52: {  	[hbm4b:s8+s4] =	stream.linear.scatter [tilespmem:s11], [sflag:$0x4], $0x5000, $0x38;
	[tilespmem:$0xE800] =	vst v63  }
0x53: {  	_ =	swait.ge [sflag:s12], $0x5000  }
0x54: {  	[sflag:s12] =	ssyncset.done $0x0  }
0x55: {  	[sflag:s12] =	ssyncadd.s32 $0xFFFFB000  }
0x56: {  	_ =	sfence.sel $0x180000  }
0x57: {  	[bflag:$0x0] =	sbarrier.arrive $0xFFFF  }
0x58: {  	p0 =	sne.s32 s1, $0x0;
	_ =	strace $0x9000004A  }
0x59: {  	s0 =	sadd.s32 @!p0 $0x100000, s0;
	[bflag:$0x2] =	sbarrier.arrive $0xFFFF  }
0x5a: {  	[sflag:s0] =	ssyncadd.tile.s32 @!p0 $0x1;
	_ =	shalt  }
.Lfunc_end2:
_tile_overlayer_lowered:
.L_overlay_start_2:
0x5b: {  	(tag) =	ssettag $0x2  }
0x5c: {  	s0 =	rddreg [dreg:$0x0];
	s2 =	stileid.u32  }
0x5d: {  	s1 =	rddreg [dreg:$0x1];
	p0 =	sne.s32 s2, $0x0  }
0x5e: {  	s3 =	rddreg [dreg:$0x2];
	[bflag:$0x3] =	sbarrier.arrive $0xFFFF;
	s2 =	simm.s32 @!p0 $0x1C04  }
0x5f: {  	[timem:s3], [sflag:s2] =	dma.local @!p0 [hbm:s0], s1  }
0x60: {  	s0 =	simm.s32 @!p0 $0x4  }
0x61: {  	_ =	swait.ge @!p0 [sflag:s0], s1  }
0x62: {  	s1 =	ssub.s32 @!p0 $0x0, s1;
	[sflag:s0] =	ssyncset.done @!p0 $0x0  }
0x63: {  	[sflag:s0] =	ssyncadd.s32 @!p0 s1  }
0x64: {  	[bflag:$0x3] =	sbarrier.arrive $0xFFFF  }
0x65: {  	_ =	shalt  }

// kernel: kernel.15.cloned.1.call-start
scs
__scs_entry_jumppad:
0x0: {  	(pc) =	sbr.rel $0x88, $3  }
0x1: {  	(tag) =	ssettag $0x0;
	lr =	simm.s32 $0x1  }
0x2: {  	[smem:$0x3F99] =	sst lr;
	_ =	strace $0xD0000000  }
0x3: {  	_ = 	snop  }
0x4: {  	_ = 	snop  }
0x5: {  	_ = 	snop  }
0x6: {  	_ = 	snop  }
0x7: {  	_ = 	snop  }
__scs_overlays_trampoline_lowered:
0x8: {  	[smem:$0x3FA8] =	sst s0  }
0x9: {  	[smem:$0x3FA9] =	sst s1  }
0xa: {  	[smem:$0x3FAA] =	sst s2  }
0xb: {  	[smem:$0x3FAB] =	sst s3  }
0xc: {  	[smem:$0x3FAC] =	sst s4  }
0xd: {  	[smem:$0x3FAD] =	sst s5  }
0xe: {  	[smem:$0x3FAE] =	sst s6  }
0xf: {  	[smem:$0x3FAF] =	sst s7  }
0x10: {  	[smem:$0x3FB0] =	sst s8  }
0x11: {  	[smem:$0x3FB1] =	sst s9;
	s0 =	simm.s32 @!p0 $0x0  }
0x12: {  	s1 =	sld [smem:$0x3F97];
	s0 =	simm.s32 @p0 $0x1  }
0x13: {  	[smem:$0x3FB2] =	sst s0;
	s0 =	simm.s32 @!p1 $0x0  }
0x14: {  	s2 =	sld [smem:$0x3F96];
	s0 =	simm.s32 @p1 $0x1  }
0x15: {  	[smem:$0x3FB3] =	sst s0;
	s0 =	simm.s32 @!p2 $0x0  }
0x16: {  	s3 =	sld [smem:$0x3FDB];
	s0 =	simm.s32 @p2 $0x1  }
0x17: {  	s4 =	simm.s32 $0x1BF5;
	[smem:$0x3FB5] =	sst s0  }
0x18: {  	s0 =	sld [smem:$0x3F98];
	_ =	swait.ge [sflag:s4], $0x0  }
0x19: {  	s7 =	sld [smem:$0x3F99]  }
0x1a: {  	s8 =	sadd.s32 $0xFFFFE003, lr  }
0x1b: {  	s9 =	sadd.s32 $0xFFFFFEF7, lr;
	s5 =	simm.s32 $0xFFFFFFFF;
	p2 =	slt.u32 s8, $0xFFFFF086  }
0x1c: {  	p1 =	slt.u32 s9, $0xF7A;
	s5 =	simm.s32 @!p2 $0x0  }
0x1d: {  	s5 =	simm.s32 @p1 $0x1;
	p0 =	seq.s32 s7, s2  }
0x1e: {  	s7 =	smul.u32 @!p0 $0xF7A, s2;
	p2 =	seq.s32 @!p0 s5, $0x0  }
0x1f: {  	s9 =	smul.u32 $0xF7A, s1;
	s8 =	simm.s32 @!p0 $0x1BF5;
	p2 =	por !p2, p0  }
0x20: {  	[sflag:s8] =	ssyncset.s32 @!p0 $0xFFFFF086;
	s6 =	sadd.s32 @!p0 s3, s7;
	s7 =	simm.s32 @!p0 $0x108  }
0x21: {  	s3 =	sadd.s32 s3, s9;
	s6 =	sadd.s32 @!p0 $0x88, s6;
	s7 =	simm.s32 @p2 $0x1082  }
0x22: {  	[simem:s7], [sflag:s8] =	dma.local @!p0 [hbm:s6], $0xF7A  }
0x23: {  	s9 =	sor.u32 $0xD0000000, s2;
	s6 =	simm.s32 $0x108;
	_ =	swait.ge @!p0 [sflag:s8], $0x0  }
0x24: {  	s3 =	sadd.s32 $0x88, s3;
	s6 =	simm.s32 @!p1 $0x1082;
	[sflag:s4] =	ssyncset.s32 $0xFFFFF086  }
0x25: {  	[simem:s6], [sflag:s4] =	dma.local [hbm:s3], $0xF7A  }
0x26: {  	[smem:$0x3F99] =	sst s1;
	(tag) =	ssettag s2;
	_ =	strace s9  }
0x27: {  	s1 =	sld [smem:$0x3FA9]  }
0x28: {  	s2 =	sld [smem:$0x3FAA]  }
0x29: {  	s4 =	sld [smem:$0x3FAC]  }
0x2a: {  	p0 =	seq.s32 s5, $0x0;
	s5 =	sld [smem:$0x3FAD]  }
0x2b: {  	s6 =	sld [smem:$0x3FAE]  }
0x2c: {  	s7 =	sld [smem:$0x3FAF]  }
0x2d: {  	s3 =	simm.s32 $0x108;
	s8 =	sld [smem:$0x3FB0]  }
0x2e: {  	s3 =	simm.s32 @!p0 $0x1082;
	s9 =	sld [smem:$0x3FB1]  }
0x2f: {  	lr =	sadd.s32 s0, s3;
	s0 =	sld [smem:$0x3FA8]  }
0x30: {  	s3 =	sld [smem:$0x3FAB]  }
0x31: {  	[smem:$0x3FB4] =	sst s10  }
0x32: {  	s10 =	sld [smem:$0x3FB2];
	_ =	sdelay $0x3  }
0x33: {  	p0 =	seq.s32 s10, $0x1;
	s10 =	sld [smem:$0x3FB4];
	_ =	sdelay $0x3  }
0x34: {  	[smem:$0x3FB4] =	sst s10  }
0x35: {  	s10 =	sld [smem:$0x3FB3];
	_ =	sdelay $0x3  }
0x36: {  	p1 =	seq.s32 s10, $0x1;
	s10 =	sld [smem:$0x3FB4];
	_ =	sdelay $0x3  }
0x37: {  	[smem:$0x3FB4] =	sst s10  }
0x38: {  	s10 =	sld [smem:$0x3FB5]  }
0x39: {  	_ = 	snop;
	(pc) =	sbr.ind lr, $3  }
0x3a: {  	_ = 	snop  }
0x3b: {  	_ = 	snop  }
0x3c: {  	p2 =	seq.s32 s10, $0x1;
	s10 =	sld [smem:$0x3FB4]  }
0x3d: {  	_ =	shalt  }
0x3e: {  	_ =	shalt  }
0x3f: {  	_ =	shalt  }
0x40: {  	_ =	shalt  }
0x41: {  	_ =	shalt  }
0x42: {  	_ =	shalt  }
0x43: {  	_ =	shalt  }
0x44: {  	_ =	shalt  }
0x45: {  	_ =	shalt  }
0x46: {  	_ =	shalt  }
0x47: {  	_ =	shalt  }
0x48: {  	_ =	shalt  }
0x49: {  	_ =	shalt  }
0x4a: {  	_ =	shalt  }
0x4b: {  	_ =	shalt  }
0x4c: {  	_ =	shalt  }
0x4d: {  	_ =	shalt  }
0x4e: {  	_ =	shalt  }
0x4f: {  	_ =	shalt  }
0x50: {  	_ =	shalt  }
0x51: {  	_ =	shalt  }
0x52: {  	_ =	shalt  }
0x53: {  	_ =	shalt  }
0x54: {  	_ =	shalt  }
0x55: {  	_ =	shalt  }
0x56: {  	_ =	shalt  }
0x57: {  	_ =	shalt  }
0x58: {  	_ =	shalt  }
0x59: {  	_ =	shalt  }
0x5a: {  	_ =	shalt  }
0x5b: {  	_ =	shalt  }
0x5c: {  	_ =	shalt  }
0x5d: {  	_ =	shalt  }
0x5e: {  	_ =	shalt  }
0x5f: {  	_ =	shalt  }
0x60: {  	_ =	shalt  }
0x61: {  	_ =	shalt  }
0x62: {  	_ =	shalt  }
0x63: {  	_ =	shalt  }
0x64: {  	_ =	shalt  }
0x65: {  	_ =	shalt  }
0x66: {  	_ =	shalt  }
0x67: {  	_ =	shalt  }
0x68: {  	_ =	shalt  }
0x69: {  	_ =	shalt  }
0x6a: {  	_ =	shalt  }
0x6b: {  	_ =	shalt  }
0x6c: {  	_ =	shalt  }
0x6d: {  	_ =	shalt  }
0x6e: {  	_ =	shalt  }
0x6f: {  	_ =	shalt  }
0x70: {  	_ =	shalt  }
0x71: {  	_ =	shalt  }
0x72: {  	_ =	shalt  }
0x73: {  	_ =	shalt  }
0x74: {  	_ =	shalt  }
0x75: {  	_ =	shalt  }
0x76: {  	_ =	shalt  }
0x77: {  	_ =	shalt  }
0x78: {  	_ =	shalt  }
0x79: {  	_ =	shalt  }
0x7a: {  	_ =	shalt  }
0x7b: {  	_ =	shalt  }
0x7c: {  	_ =	shalt  }
0x7d: {  	_ =	shalt  }
0x7e: {  	_ =	shalt  }
0x7f: {  	_ =	shalt  }
0x80: {  	_ =	shalt  }
0x81: {  	_ =	shalt  }
0x82: {  	_ =	shalt  }
0x83: {  	_ =	shalt  }
0x84: {  	_ =	shalt  }
0x85: {  	_ =	shalt  }
0x86: {  	_ =	shalt  }
0x87: {  	_ =	shalt  }
.Lfunc_end0:
.L_simem_size_0:
called_computation.2_lowered:
.L_overlay_start_0:
0x88: {  	s2 =	sld [smem:$0x3FD9]  }
0x89: {  	s3 =	sld [smem:$0x3FFE];
	_ =	sdelay $0x1  }
0x8a: {  	s1 =	srdreg.scid  }
0x8b: {  	s0 =	sand.u32 $0x1, s1  }
0x8c: {  	s14 =	sshll.u32 s0, $0xA;
	s2 =	sadd.s32 s3, s2  }
0x8d: {  	s2 =	sadd.s32 s2, s14  }
0x8e: {  	[smem:$0x3FC0] =	sst s2  }
0x8f: {  	_ = 	snop  }
0x90: {  	s2 =	sld [smem:$0x3FD0];
	_ =	sdelay $0x2  }
0x91: {  	s15 =	simm.s32 $0xA;
	s4 =	simm.s32 $0x10  }
0x92: {  	[smem:s4], [sflag:s15] =	dma.local [hbm:s2], $0x1  }
0x93: {  	_ =	swait.eq [sflag:s15], $0x1  }
0x94: {  	[sflag:s15] =	ssyncset.done $0x0  }
0x95: {  	[sflag:s15] =	ssyncadd.s32 $0xFFFFFFFF  }
0x96: {  	s16 =	sld [smem:$0x10];
	(tm) =	ssettm $0x1  }
0x97: {  	s17 =	sld [smem:$0x3FFB];
	_ =	sdelay $0x3  }
0x98: {  	_ =	strace s17  }
0x99: {  	s3 =	sld [smem:$0x3FFC];
	_ =	sdelay $0x3  }
0x9a: {  	_ =	strace s3  }
0x9b: {  	s3 =	sld [smem:$0x3FFD];
	_ =	sdelay $0x3  }
0x9c: {  	_ =	strace s3  }
0x9d: {  	_ =	strace $0x8FFFFFFF  }
0x9e: {  	s18 =	sld [smem:$0x3FDB];
	_ =	sdelay $0x1  }
0x9f: {  	s19 =	simm.s32 $_scs_section_size  }
0xa0: {  	s5 =	simm.s32 $_size__tile_overlayer_lowered;
	s6 =	simm.s32 $_tile_overlayer_lowered  }
0xa1: {  	s22 =	simm.s32 $0x1BFF;
	s21 =	sshll.u32 s6, $0x1;
	s3 =	sadd.s32 s19, s18  }
0xa2: {  	s7 =	simm.s32 $0x0;
	s20 =	sshll.u32 s5, $0x1;
	s5 =	sadd.s32 s21, s3  }
0xa3: {  	[timem:s7], [sflag:s22] =	dma.local [hbm:s5], s20  }
0xa4: {  	_ =	swait.ge [sflag:s22], s20  }
0xa5: {  	s4 =	ssub.s32 $0x0, s20;
	[sflag:s22] =	ssyncset.done $0x0  }
0xa6: {  	[sflag:s22] =	ssyncadd.s32 s4;
	_ =	sdelay $0x1  }
0xa7: {  	s23 =	simm.s32 $0x1B8B  }
0xa8: {  	_ =	swait.ge [sflag:s23], $0x1  }
0xa9: {  	[sflag:s23] =	ssyncset.done $0x0  }
0xaa: {  	s25 =	simm.s32 $0x1B8E;
	s24 =	sld [smem:$0x3FFE];
	[sflag:s23] =	ssyncadd.s32 $0xFFFFFFFF  }
0xab: {  	s26 =	simm.s32 $execute0_lowered;
	[smem:$0x3FD2] =	sst s25  }
0xac: {  	s5 =	sshll.u32 s26, $0x1;
	_ =	strace $0x8000004C;
	[dreg:$0x1] =	wrdreg $0xFFFFFFFF  }
0xad: {  	s28 =	simm.s32 $_size_execute0_lowered;
	s3 =	sadd.s32 s3, s5;
	[dreg:$0x0] =	wrdreg $0x0  }
0xae: {  	s5 =	sshll.u32 s28, $0x1;
	[dreg:$0x2] =	wrdreg s3  }
0xaf: {  	[dreg:$0x3] =	wrdreg s5  }
0xb0: {  	[dreg:$0x4] =	wrdreg $0xC0  }
0xb1: {  	_ =	task [dreg:s7], $0x5FFFF  }
0xb2: {  	[dreg:$0x1] =	wrdreg $0xFFFFFFFF  }
0xb3: {  	[dreg:$0x0] =	wrdreg $0x60  }
0xb4: {  	[dreg:$0x2] =	wrdreg s16  }
0xb5: {  	[dreg:$0x3] =	wrdreg s24  }
0xb6: {  	[dreg:$0x4] =	wrdreg $0x98000  }
0xb7: {  	[dreg:$0x5] =	wrdreg $0x9  }
0xb8: {  	_ =	task.clear_ibuf [dreg:s7], $0x6FFFF;
	_ =	strace $0x9000004C  }
0xb9: {  	s29 =	simm.s32 $0x9;
	_ =	strace $0x8000004E  }
0xba: {  	_ =	swait.ge [sflag:s29], $0x1  }
0xbb: {  	[sflag:s29] =	ssyncadd.s32 $0xFFFFFFFF  }
0xbc: {  	_ =	strace $0x9000004E  }
0xbd: {  	_ =	sfence  }
0xbe: {  	s30 =	sld [smem:$0x0];
	_ =	sdelay $0x2  }
0xbf: {  	s31 =	sshll.u32 s1, $0xD;
	s1 =	sshrl.u32 s1, $0x2  }
0xc0: {  	s3 =	sand.u32 $0x4000, s31;
	s1 =	sadd.s32 s1, s30  }
0xc1: {  	s0 =	sor.u32 s3, s0;
	s1 =	sshll.u32 s1, $0x11  }
0xc2: {  	s0 =	sor.u32 s1, s0  }
0xc3: {  	s0 =	sadd.s32 $0x8F2B, s0  }
0xc4: {  	[sflag:s0] =	ssyncadd.remote.s32 $0x1  }
0xc5: {  	_ =	sfence.sel $0xFFFF  }
0xc6: {  	[dreg:$0x0] =	wrdreg $0xFFFFFFFF;
	(pc) =	sbr.abs _section_cstart, $3  }
0xc7: {  	[dreg:$0x1] =	wrdreg $0xFFFFFFFF  }
0xc8: {  	_ =	task.clear_ibuf [dreg:s7], $0x2FFFF;
	_ =	strace $0x9FFFFFFF  }
0xc9: {  	(tm) =	ssettm $0x7FFFFFFF  }
tec
execute0_lowered:
.L_overlay_start_1:
0x0: {  	(tag) =	ssettag $0x1  }
0x1: {  	s2 =	rddreg [dreg:$0x0]  }
0x2: {  	s5 =	rddreg [dreg:$0x1]  }
0x3: {  	s3 =	rddreg [dreg:$0x2];
	s4 =	srdreg.scid  }
0x4: {  	s1 =	stileid.u32;
	s0 =	rddreg [dreg:$0x3];
	s11 =	simm.s32 $0x4800  }
0x5: {  	s12 =	simm.s32 $0x4;
	s13 =	simm.s32 $0x3;
	s14 =	simm.s32 $0x2800  }
0x6: {  	s15 =	simm.s32 $0x1;
	s16 =	simm.s32 $0x80;
	s17 =	simm.s32 $0x3800  }
0x7: {  	s18 =	simm.s32 $0x2;
	s19 =	simm.s32 $0x0;
	s6 =	sand.u32 $0x1, s4  }
0x8: {  	s7 =	smul.u32 $0x5000, s1;
	s4 =	simm.s32 $0x0;
	s8 =	sshll.u32 s6, $0x4  }
0x9: {  	s9 =	smul.u32 $0x50000, s6;
	s6 =	ssub.s32 $0x2, s6;
	s8 =	sor.u32 s1, s8  }
0xa: {  	[smem:$0x7FF] =	sst s4;
	s10 =	sshrl.u32 s6, $0x1;
	s8 =	smul.u32 $0x280, s8  }
0xb: {  	_ =	strace $0x8000004D;
	s9 =	sadd.s32 s7, s9;
	s10 =	ssub.s32 s6, s10  }
0xc: {  	s7 =	sadd.s32 s7, s3;
	s9 =	sshrl.u32 s9, $0x3;
	s8 =	sadd.s32 s8, s5  }
0xd: {  	s9 =	sadd.s32 s9, s5;
	s5 =	sadd.s32 $0x6E00, s8;
	s6 =	sadd.s32 $0x1E00, s8  }
0xe: {  	v0 =	vimm.f32 $0.0e+00;
	s8 =	sadd.s32 $0x33000, s9;
	s9 =	smax.u32 s10, $0x1;
	s10 =	simm.s32 $0x1400  }
.LBB2_1:
0xf: {  	[tilespmem:s4], [sflag:$0x3] =	stream.linear.gather [hbm4b:s5+s4], $0x1400, $0x38;
	[tilespmem:$0xE800] =	vst v63  }
0x10: {  	s20 =	simm.s32 $0x80;
	s21 =	simm.s32 $0x0  }
0x11: {  	[tilespmem:s10], [sflag:$0x3] =	stream.linear.gather [hbm4b:s6+s4], $0x1400, $0x38;
	[tilespmem:$0xE800] =	vst v63  }
.LBB2_2:
0x12: {  	p0 =	sne.s32 s20, $0x13F80;
	[tilespmem:s21+$0x4800] =	vst v0;
	s22 =	smov.u32 s20;
	s20 =	sadd.s32 $0x80, s20  }
.Ltmp0:
0x13: {  	[tilespmem:s21+$0x4810] =	vst v0;
	(pc) =	sbr.rel @p0 .LBB2_2-.Ltmp0, $2  }
0x14: {  	_ =	sdelay $0x2  }
0x15: {  	s21 =	sshra.s32 s22, $0x2  }
0x16: {  	[tilespmem:s21+$0x4800] =	vst v0  }
0x17: {  	[tilespmem:s21+$0x4810] =	vst v0  }
0x18: {  	[spmem:s7] =	stream.linear.scatter [tilespmem:s11], [sflag:$0x4], $0x5000, $0x38;
	[tilespmem:$0xE800] =	vst v63  }
0x19: {  	_ =	swait.ge [sflag:s12], $0x5000  }
0x1a: {  	[sflag:s12] =	ssyncset.done $0x0  }
0x1b: {  	[sflag:s12] =	ssyncadd.s32 $0xFFFFB000  }
0x1c: {  	_ =	swait.ge [sflag:s13], $0x1400  }
0x1d: {  	[sflag:s13] =	ssyncset.done $0x0  }
0x1e: {  	[sflag:s13] =	ssyncadd.s32 $0xFFFFEC00  }
0x1f: {  	_ =	swait.ge [sflag:s13], $0x1400  }
0x20: {  	[sflag:s13] =	ssyncset.done $0x0  }
0x21: {  	s20 =	simm.s32 $0x80;
	s22 =	simm.s32 $0x0;
	[sflag:s13] =	ssyncadd.s32 $0xFFFFEC00  }
0x22: {  	[tilespmem:s14], [sflag:$0x1] =	stream.indirect.gather [hbm4b:s2+s20], $0x20, s22, s20, $0xb8;
	[tilespmem:$0xE800] =	vst v63  }
0x23: {  	[bflag:$0x0] =	sbarrier.arrive $0xFFFF  }
0x24: {  	_ =	swait.ge [sflag:s15], $0x1000  }
0x25: {  	[sflag:s15] =	ssyncset.done $0x0  }
0x26: {  	[sflag:s15] =	ssyncadd.s32 $0xFFFFF000  }
0x27: {  	[tilespmem:s17], [sflag:$0x2] =	stream.indirect.gather [hbm4b:s2+s16], $0x20, s20, s16, $0xb8;
	[tilespmem:$0xE800] =	vst v63  }
0x28: {  	s21 =	simm.s32 $0x1400  }
0x29: {  	[spmem:s3] =	stream.indirect.scatter.add.f32 [tilespmem:s14], [sflag:$0x4], $0x20, s21, s16, $0xb8;
	[tilespmem:$0xE800] =	vst v63  }
0x2a: {  	_ =	swait.ge [sflag:s12], $0x1000  }
0x2b: {  	[sflag:s12] =	ssyncset.done $0x0  }
0x2c: {  	[sflag:s12] =	ssyncadd.s32 $0xFFFFF000  }
0x2d: {  	s22 =	smin.u32 s22, $0x24;
	_ =	swait.ge [sflag:s18], $0x1000  }
0x2e: {  	s22 =	sshll.u32 s22, $0x7;
	[sflag:s18] =	ssyncset.done $0x0  }
0x2f: {  	s22 =	sadd.s32 $0x100, s22;
	[sflag:s18] =	ssyncadd.s32 $0xFFFFF000  }
0x30: {  	[tilespmem:s14], [sflag:$0x1] =	stream.indirect.gather [hbm4b:s2+s16], $0x20, s22, s16, $0xb8;
	[tilespmem:$0xE800] =	vst v63  }
0x31: {  	s31 =	simm.s32 $0x1480  }
0x32: {  	[spmem:s3] =	stream.indirect.scatter.add.f32 [tilespmem:s17], [sflag:$0x4], $0x20, s31, s16, $0xb8;
	[tilespmem:$0xE800] =	vst v63  }
0x33: {  	_ =	swait.ge [sflag:s12], $0x1000  }
0x34: {  	s22 =	simm.s32 $0x2;
	[sflag:s12] =	ssyncset.done $0x0  }
.LBB2_4:
0x35: {  	[sflag:s12] =	ssyncadd.s32 $0xFFFFF000;
	s21 =	sadd.s32 $0x100, s21;
	s20 =	sadd.s32 $0x100, s20  }
0x36: {  	p0 =	sne.s32 s22, $0x26;
	s23 =	smov.u32 s22;
	s22 =	sadd.s32 $0x2, s22  }
0x37: {  	_ =	swait.ge [sflag:s15], $0x1000  }
0x38: {  	[sflag:s15] =	ssyncset.done $0x0  }
0x39: {  	[sflag:s15] =	ssyncadd.s32 $0xFFFFF000  }
0x3a: {  	[tilespmem:s17], [sflag:$0x2] =	stream.indirect.gather [hbm4b:s2+s16], $0x20, s20, s16, $0xb8;
	[tilespmem:$0xE800] =	vst v63  }
0x3b: {  	_ = 	snop  }
0x3c: {  	[spmem:s3] =	stream.indirect.scatter.add.f32 [tilespmem:s14], [sflag:$0x4], $0x20, s21, s16, $0xb8;
	[tilespmem:$0xE800] =	vst v63  }
0x3d: {  	_ =	swait.ge [sflag:s12], $0x1000  }
0x3e: {  	[sflag:s12] =	ssyncset.done $0x0  }
0x3f: {  	[sflag:s12] =	ssyncadd.s32 $0xFFFFF000  }
0x40: {  	s23 =	smin.u32 s23, $0x24;
	_ =	swait.ge [sflag:s18], $0x1000  }
0x41: {  	s23 =	sshll.u32 s23, $0x7;
	[sflag:s18] =	ssyncset.done $0x0  }
0x42: {  	s23 =	sadd.s32 $0x100, s23;
	[sflag:s18] =	ssyncadd.s32 $0xFFFFF000  }
0x43: {  	[tilespmem:s14], [sflag:$0x1] =	stream.indirect.gather [hbm4b:s2+s16], $0x20, s23, s16, $0xb8;
	[tilespmem:$0xE800] =	vst v63  }
.Ltmp1:
0x44: {  	_ = 	snop;
	(pc) =	sbr.rel @p0 .LBB2_4-.Ltmp1, $4  }
0x45: {  	s23 =	sadd.s32 $0x80, s21  }
0x46: {  	[spmem:s3] =	stream.indirect.scatter.add.f32 [tilespmem:s17], [sflag:$0x4], $0x20, s23, s16, $0xb8;
	[tilespmem:$0xE800] =	vst v63  }
0x47: {  	_ =	swait.ge [sflag:s12], $0x1000  }
0x48: {  	[sflag:s12] =	ssyncset.done $0x0  }
0x49: {  	[sflag:s12] =	ssyncadd.s32 $0xFFFFF000  }
0x4a: {  	_ =	swait.ge [sflag:s15], $0x1000  }
0x4b: {  	[sflag:s15] =	ssyncset.done $0x0  }
0x4c: {  	[sflag:s15] =	ssyncadd.s32 $0xFFFFF000  }
0x4d: {  	[bflag:$0x0] =	sbarrier.arrive $0xFFFF  }
0x4e: {  	[tilespmem:s11], [sflag:$0x4] =	stream.linear.gather [spmem:s7], $0x5000, $0x38;
	[tilespmem:$0xE800] =	vst v63  }
0x4f: {  	s19 =	sadd.s32 $0x1, s19;
	_ =	swait.ge [sflag:s12], $0x5000  }
0x50: {  	p0 =	sne.s32 s19, s9;
	[sflag:s12] =	ssyncset.done $0x0  }
.Ltmp2:
0x51: {  	[sflag:s12] =	ssyncadd.s32 $0xFFFFB000;
	(pc) =	sbr.rel @p0 .LBB2_1-.Ltmp2, $4  }
0x52: {  	[hbm4b:s8+s4] =	stream.linear.scatter [tilespmem:s11], [sflag:$0x4], $0x5000, $0x38;
	[tilespmem:$0xE800] =	vst v63  }
0x53: {  	_ =	swait.ge [sflag:s12], $0x5000  }
0x54: {  	[sflag:s12] =	ssyncset.done $0x0  }
0x55: {  	[sflag:s12] =	ssyncadd.s32 $0xFFFFB000  }
0x56: {  	_ =	sfence.sel $0x180000  }
0x57: {  	[bflag:$0x0] =	sbarrier.arrive $0xFFFF  }
0x58: {  	p0 =	sne.s32 s1, $0x0;
	_ =	strace $0x9000004D  }
0x59: {  	s0 =	sadd.s32 @!p0 $0x100000, s0;
	[bflag:$0x2] =	sbarrier.arrive $0xFFFF  }
0x5a: {  	[sflag:s0] =	ssyncadd.tile.s32 @!p0 $0x1;
	_ =	shalt  }
.Lfunc_end2:
_tile_overlayer_lowered:
.L_overlay_start_2:
0x5b: {  	(tag) =	ssettag $0x2  }
0x5c: {  	s0 =	rddreg [dreg:$0x0];
	s2 =	stileid.u32  }
0x5d: {  	s1 =	rddreg [dreg:$0x1];
	p0 =	sne.s32 s2, $0x0  }
0x5e: {  	s3 =	rddreg [dreg:$0x2];
	[bflag:$0x3] =	sbarrier.arrive $0xFFFF;
	s2 =	simm.s32 @!p0 $0x1C04  }
0x5f: {  	[timem:s3], [sflag:s2] =	dma.local @!p0 [hbm:s0], s1  }
0x60: {  	s0 =	simm.s32 @!p0 $0x4  }
0x61: {  	_ =	swait.ge @!p0 [sflag:s0], s1  }
0x62: {  	s1 =	ssub.s32 @!p0 $0x0, s1;
	[sflag:s0] =	ssyncset.done @!p0 $0x0  }
0x63: {  	[sflag:s0] =	ssyncadd.s32 @!p0 s1  }
0x64: {  	[bflag:$0x3] =	sbarrier.arrive $0xFFFF  }
0x65: {  	_ =	shalt  }

// kernel: kernel.9.cloned.1.call-start
scs
__scs_entry_jumppad:
0x0: {  	(pc) =	sbr.rel $0x88, $3  }
0x1: {  	(tag) =	ssettag $0x0;
	lr =	simm.s32 $0x1  }
0x2: {  	[smem:$0x3F99] =	sst lr;
	_ =	strace $0xD0000000  }
0x3: {  	_ = 	snop  }
0x4: {  	_ = 	snop  }
0x5: {  	_ = 	snop  }
0x6: {  	_ = 	snop  }
0x7: {  	_ = 	snop  }
__scs_overlays_trampoline_lowered:
0x8: {  	[smem:$0x3FA8] =	sst s0  }
0x9: {  	[smem:$0x3FA9] =	sst s1  }
0xa: {  	[smem:$0x3FAA] =	sst s2  }
0xb: {  	[smem:$0x3FAB] =	sst s3  }
0xc: {  	[smem:$0x3FAC] =	sst s4  }
0xd: {  	[smem:$0x3FAD] =	sst s5  }
0xe: {  	[smem:$0x3FAE] =	sst s6  }
0xf: {  	[smem:$0x3FAF] =	sst s7  }
0x10: {  	[smem:$0x3FB0] =	sst s8  }
0x11: {  	[smem:$0x3FB1] =	sst s9;
	s0 =	simm.s32 @!p0 $0x0  }
0x12: {  	s1 =	sld [smem:$0x3F97];
	s0 =	simm.s32 @p0 $0x1  }
0x13: {  	[smem:$0x3FB2] =	sst s0;
	s0 =	simm.s32 @!p1 $0x0  }
0x14: {  	s2 =	sld [smem:$0x3F96];
	s0 =	simm.s32 @p1 $0x1  }
0x15: {  	[smem:$0x3FB3] =	sst s0;
	s0 =	simm.s32 @!p2 $0x0  }
0x16: {  	s3 =	sld [smem:$0x3FDB];
	s0 =	simm.s32 @p2 $0x1  }
0x17: {  	s4 =	simm.s32 $0x1BF5;
	[smem:$0x3FB5] =	sst s0  }
0x18: {  	s0 =	sld [smem:$0x3F98];
	_ =	swait.ge [sflag:s4], $0x0  }
0x19: {  	s7 =	sld [smem:$0x3F99]  }
0x1a: {  	s8 =	sadd.s32 $0xFFFFE003, lr  }
0x1b: {  	s9 =	sadd.s32 $0xFFFFFEF7, lr;
	s5 =	simm.s32 $0xFFFFFFFF;
	p2 =	slt.u32 s8, $0xFFFFF086  }
0x1c: {  	p1 =	slt.u32 s9, $0xF7A;
	s5 =	simm.s32 @!p2 $0x0  }
0x1d: {  	s5 =	simm.s32 @p1 $0x1;
	p0 =	seq.s32 s7, s2  }
0x1e: {  	s7 =	smul.u32 @!p0 $0xF7A, s2;
	p2 =	seq.s32 @!p0 s5, $0x0  }
0x1f: {  	s9 =	smul.u32 $0xF7A, s1;
	s8 =	simm.s32 @!p0 $0x1BF5;
	p2 =	por !p2, p0  }
0x20: {  	[sflag:s8] =	ssyncset.s32 @!p0 $0xFFFFF086;
	s6 =	sadd.s32 @!p0 s3, s7;
	s7 =	simm.s32 @!p0 $0x108  }
0x21: {  	s3 =	sadd.s32 s3, s9;
	s6 =	sadd.s32 @!p0 $0x88, s6;
	s7 =	simm.s32 @p2 $0x1082  }
0x22: {  	[simem:s7], [sflag:s8] =	dma.local @!p0 [hbm:s6], $0xF7A  }
0x23: {  	s9 =	sor.u32 $0xD0000000, s2;
	s6 =	simm.s32 $0x108;
	_ =	swait.ge @!p0 [sflag:s8], $0x0  }
0x24: {  	s3 =	sadd.s32 $0x88, s3;
	s6 =	simm.s32 @!p1 $0x1082;
	[sflag:s4] =	ssyncset.s32 $0xFFFFF086  }
0x25: {  	[simem:s6], [sflag:s4] =	dma.local [hbm:s3], $0xF7A  }
0x26: {  	[smem:$0x3F99] =	sst s1;
	(tag) =	ssettag s2;
	_ =	strace s9  }
0x27: {  	s1 =	sld [smem:$0x3FA9]  }
0x28: {  	s2 =	sld [smem:$0x3FAA]  }
0x29: {  	s4 =	sld [smem:$0x3FAC]  }
0x2a: {  	p0 =	seq.s32 s5, $0x0;
	s5 =	sld [smem:$0x3FAD]  }
0x2b: {  	s6 =	sld [smem:$0x3FAE]  }
0x2c: {  	s7 =	sld [smem:$0x3FAF]  }
0x2d: {  	s3 =	simm.s32 $0x108;
	s8 =	sld [smem:$0x3FB0]  }
0x2e: {  	s3 =	simm.s32 @!p0 $0x1082;
	s9 =	sld [smem:$0x3FB1]  }
0x2f: {  	lr =	sadd.s32 s0, s3;
	s0 =	sld [smem:$0x3FA8]  }
0x30: {  	s3 =	sld [smem:$0x3FAB]  }
0x31: {  	[smem:$0x3FB4] =	sst s10  }
0x32: {  	s10 =	sld [smem:$0x3FB2];
	_ =	sdelay $0x3  }
0x33: {  	p0 =	seq.s32 s10, $0x1;
	s10 =	sld [smem:$0x3FB4];
	_ =	sdelay $0x3  }
0x34: {  	[smem:$0x3FB4] =	sst s10  }
0x35: {  	s10 =	sld [smem:$0x3FB3];
	_ =	sdelay $0x3  }
0x36: {  	p1 =	seq.s32 s10, $0x1;
	s10 =	sld [smem:$0x3FB4];
	_ =	sdelay $0x3  }
0x37: {  	[smem:$0x3FB4] =	sst s10  }
0x38: {  	s10 =	sld [smem:$0x3FB5]  }
0x39: {  	_ = 	snop;
	(pc) =	sbr.ind lr, $3  }
0x3a: {  	_ = 	snop  }
0x3b: {  	_ = 	snop  }
0x3c: {  	p2 =	seq.s32 s10, $0x1;
	s10 =	sld [smem:$0x3FB4]  }
0x3d: {  	_ =	shalt  }
0x3e: {  	_ =	shalt  }
0x3f: {  	_ =	shalt  }
0x40: {  	_ =	shalt  }
0x41: {  	_ =	shalt  }
0x42: {  	_ =	shalt  }
0x43: {  	_ =	shalt  }
0x44: {  	_ =	shalt  }
0x45: {  	_ =	shalt  }
0x46: {  	_ =	shalt  }
0x47: {  	_ =	shalt  }
0x48: {  	_ =	shalt  }
0x49: {  	_ =	shalt  }
0x4a: {  	_ =	shalt  }
0x4b: {  	_ =	shalt  }
0x4c: {  	_ =	shalt  }
0x4d: {  	_ =	shalt  }
0x4e: {  	_ =	shalt  }
0x4f: {  	_ =	shalt  }
0x50: {  	_ =	shalt  }
0x51: {  	_ =	shalt  }
0x52: {  	_ =	shalt  }
0x53: {  	_ =	shalt  }
0x54: {  	_ =	shalt  }
0x55: {  	_ =	shalt  }
0x56: {  	_ =	shalt  }
0x57: {  	_ =	shalt  }
0x58: {  	_ =	shalt  }
0x59: {  	_ =	shalt  }
0x5a: {  	_ =	shalt  }
0x5b: {  	_ =	shalt  }
0x5c: {  	_ =	shalt  }
0x5d: {  	_ =	shalt  }
0x5e: {  	_ =	shalt  }
0x5f: {  	_ =	shalt  }
0x60: {  	_ =	shalt  }
0x61: {  	_ =	shalt  }
0x62: {  	_ =	shalt  }
0x63: {  	_ =	shalt  }
0x64: {  	_ =	shalt  }
0x65: {  	_ =	shalt  }
0x66: {  	_ =	shalt  }
0x67: {  	_ =	shalt  }
0x68: {  	_ =	shalt  }
0x69: {  	_ =	shalt  }
0x6a: {  	_ =	shalt  }
0x6b: {  	_ =	shalt  }
0x6c: {  	_ =	shalt  }
0x6d: {  	_ =	shalt  }
0x6e: {  	_ =	shalt  }
0x6f: {  	_ =	shalt  }
0x70: {  	_ =	shalt  }
0x71: {  	_ =	shalt  }
0x72: {  	_ =	shalt  }
0x73: {  	_ =	shalt  }
0x74: {  	_ =	shalt  }
0x75: {  	_ =	shalt  }
0x76: {  	_ =	shalt  }
0x77: {  	_ =	shalt  }
0x78: {  	_ =	shalt  }
0x79: {  	_ =	shalt  }
0x7a: {  	_ =	shalt  }
0x7b: {  	_ =	shalt  }
0x7c: {  	_ =	shalt  }
0x7d: {  	_ =	shalt  }
0x7e: {  	_ =	shalt  }
0x7f: {  	_ =	shalt  }
0x80: {  	_ =	shalt  }
0x81: {  	_ =	shalt  }
0x82: {  	_ =	shalt  }
0x83: {  	_ =	shalt  }
0x84: {  	_ =	shalt  }
0x85: {  	_ =	shalt  }
0x86: {  	_ =	shalt  }
0x87: {  	_ =	shalt  }
.Lfunc_end0:
.L_simem_size_0:
called_computation_lowered:
.L_overlay_start_0:
0x88: {  	s2 =	sld [smem:$0x3FD9]  }
0x89: {  	s3 =	sld [smem:$0x3FFE];
	_ =	sdelay $0x1  }
0x8a: {  	s1 =	srdreg.scid  }
0x8b: {  	s0 =	sand.u32 $0x1, s1  }
0x8c: {  	s15 =	sshll.u32 s0, $0xA;
	s2 =	sadd.s32 s3, s2  }
0x8d: {  	s2 =	sadd.s32 s2, s15  }
0x8e: {  	[smem:$0x3FC0] =	sst s2  }
0x8f: {  	_ = 	snop  }
0x90: {  	s2 =	sld [smem:$0x3FD0];
	_ =	sdelay $0x2  }
0x91: {  	s16 =	simm.s32 $0xA;
	s4 =	simm.s32 $0x10  }
0x92: {  	[smem:s4], [sflag:s16] =	dma.local [hbm:s2], $0x1  }
0x93: {  	_ =	swait.eq [sflag:s16], $0x1  }
0x94: {  	[sflag:s16] =	ssyncset.done $0x0  }
0x95: {  	s17 =	sld [smem:$0x11];
	[sflag:s16] =	ssyncadd.s32 $0xFFFFFFFF  }
0x96: {  	s18 =	sld [smem:$0x12];
	(tm) =	ssettm $0x1  }
0x97: {  	s19 =	sld [smem:$0x3FFB];
	_ =	sdelay $0x3  }
0x98: {  	_ =	strace s19  }
0x99: {  	s4 =	sld [smem:$0x3FFC];
	_ =	sdelay $0x3  }
0x9a: {  	_ =	strace s4  }
0x9b: {  	s4 =	sld [smem:$0x3FFD];
	_ =	sdelay $0x3  }
0x9c: {  	_ =	strace s4  }
0x9d: {  	_ =	strace $0x8FFFFFFF  }
0x9e: {  	s20 =	sld [smem:$0x3FDB];
	_ =	sdelay $0x1  }
0x9f: {  	s5 =	simm.s32 $_scs_section_size  }
0xa0: {  	s6 =	simm.s32 $_size__tile_overlayer_lowered;
	s7 =	simm.s32 $_tile_overlayer_lowered  }
0xa1: {  	s23 =	simm.s32 $0x1BFF;
	s22 =	sshll.u32 s7, $0x1;
	s4 =	sadd.s32 s5, s20  }
0xa2: {  	s8 =	simm.s32 $0x0;
	s21 =	sshll.u32 s6, $0x1;
	s6 =	sadd.s32 s22, s4  }
0xa3: {  	[timem:s8], [sflag:s23] =	dma.local [hbm:s6], s21  }
0xa4: {  	_ =	swait.ge [sflag:s23], s21  }
0xa5: {  	s5 =	ssub.s32 $0x0, s21;
	[sflag:s23] =	ssyncset.done $0x0  }
0xa6: {  	[sflag:s23] =	ssyncadd.s32 s5;
	_ =	sdelay $0x1  }
0xa7: {  	s24 =	simm.s32 $0x1B8B  }
0xa8: {  	_ =	swait.ge [sflag:s24], $0x1  }
0xa9: {  	[sflag:s24] =	ssyncset.done $0x0  }
0xaa: {  	s25 =	simm.s32 $0x1B8E;
	[sflag:s24] =	ssyncadd.s32 $0xFFFFFFFF  }
0xab: {  	s26 =	simm.s32 $execute0_lowered;
	[smem:$0x3FD2] =	sst s25  }
0xac: {  	s5 =	sshll.u32 s26, $0x1;
	_ =	strace $0x80000046;
	[dreg:$0x1] =	wrdreg $0xFFFFFFFF  }
0xad: {  	s28 =	simm.s32 $_size_execute0_lowered;
	s4 =	sadd.s32 s4, s5;
	[dreg:$0x0] =	wrdreg $0x0  }
0xae: {  	s5 =	sshll.u32 s28, $0x1;
	[dreg:$0x2] =	wrdreg s4  }
0xaf: {  	[dreg:$0x3] =	wrdreg s5  }
0xb0: {  	[dreg:$0x4] =	wrdreg $0xC0  }
0xb1: {  	_ =	task [dreg:s8], $0x5FFFF  }
0xb2: {  	[dreg:$0x1] =	wrdreg $0xFFFFFFFF  }
0xb3: {  	[dreg:$0x0] =	wrdreg $0x60  }
0xb4: {  	[dreg:$0x2] =	wrdreg s18  }
0xb5: {  	[dreg:$0x3] =	wrdreg s17  }
0xb6: {  	[dreg:$0x4] =	wrdreg $0x66180  }
0xb7: {  	[dreg:$0x5] =	wrdreg $0x9  }
0xb8: {  	_ =	task.clear_ibuf [dreg:s8], $0x6FFFF;
	_ =	strace $0x90000046  }
0xb9: {  	s29 =	simm.s32 $0x9;
	_ =	strace $0x80000048  }
0xba: {  	_ =	swait.ge [sflag:s29], $0x1  }
0xbb: {  	[sflag:s29] =	ssyncadd.s32 $0xFFFFFFFF  }
0xbc: {  	_ =	strace $0x90000048  }
0xbd: {  	_ =	sfence  }
0xbe: {  	s30 =	sld [smem:$0x0];
	_ =	sdelay $0x2  }
0xbf: {  	s31 =	sshll.u32 s1, $0xD;
	s1 =	sshrl.u32 s1, $0x2  }
0xc0: {  	s3 =	sand.u32 $0x4000, s31;
	s1 =	sadd.s32 s1, s30  }
0xc1: {  	s0 =	sor.u32 s3, s0;
	s1 =	sshll.u32 s1, $0x11  }
0xc2: {  	s0 =	sor.u32 s1, s0  }
0xc3: {  	s0 =	sadd.s32 $0x8F2B, s0  }
0xc4: {  	[sflag:s0] =	ssyncadd.remote.s32 $0x1  }
0xc5: {  	_ =	sfence.sel $0xFFFF  }
0xc6: {  	[dreg:$0x0] =	wrdreg $0xFFFFFFFF;
	(pc) =	sbr.abs _section_cstart, $3  }
0xc7: {  	[dreg:$0x1] =	wrdreg $0xFFFFFFFF  }
0xc8: {  	_ =	task.clear_ibuf [dreg:s8], $0x2FFFF;
	_ =	strace $0x9FFFFFFF  }
0xc9: {  	(tm) =	ssettm $0x7FFFFFFF  }
tec
execute0_lowered:
.L_overlay_start_1:
0x0: {  	(tag) =	ssettag $0x1  }
0x1: {  	s4 =	rddreg [dreg:$0x0]  }
0x2: {  	s6 =	rddreg [dreg:$0x1]  }
0x3: {  	s0 =	srdreg.scid;
	s5 =	rddreg [dreg:$0x2];
	s2 =	simm.s32 $0x0  }
0x4: {  	s12 =	simm.s32 $0x2800;
	s3 =	sand.u32 $0x1, s0;
	s0 =	stileid.u32  }
0x5: {  	s13 =	simm.s32 $0x3B98;
	s14 =	simm.s32 $0x6398;
	s8 =	smul.u32 $0x280, s0  }
0x6: {  	s1 =	sshll.u32 s3, $0x4;
	s9 =	ssub.s32 $0x2, s3;
	s3 =	smul.u32 $0x2800, s3  }
0x7: {  	s15 =	simm.s32 $0x0;
	s11 =	smul.u32 $0xA000, s0;
	s1 =	sor.u32 s0, s1  }
0x8: {  	[smem:$0x7FF] =	sst s2;
	s10 =	sshrl.u32 s9, $0x1;
	s7 =	smul.u32 $0x271, s1  }
0x9: {  	s1 =	rddreg [dreg:$0x3];
	_ =	strace $0x80000047;
	s9 =	ssub.s32 s9, s10  }
0xa: {  	s29 =	sadd.s32 s8, s3;
	s30 =	sshrl.u32 s11, $0x2;
	s10 =	simm.s32 $0x2  }
0xb: {  	s11 =	simm.s32 $0x280;
	s31 =	sshrl.u32 s29, $0x3;
	s3 =	sadd.s32 s4, s7  }
0xc: {  	s4 =	sadd.s32 s30, s5;
	s5 =	sadd.s32 s8, s5;
	s6 =	sadd.s32 s6, s31  }
0xd: {  	v0 =	vimm.f32 $0.0e+00;
	v1 =	vimm.f32 $1.000000000e+00;
	vm0 =	vmmov $0xff;
	s7 =	smax.u32 s9, $0x1;
	s8 =	simm.s32 $0x1;
	s9 =	simm.s32 $0x1398  }
.LBB2_1:
0xe: {  	[tilespmem:s2], [sflag:$0x1] =	stream.linear.gather [hbm4b:s3+s2], $0x1388, $0x38;
	[tilespmem:$0x8E18] =	vst v63  }
0xf: {  	s16 =	simm.s32 $0x40;
	s17 =	simm.s32 $0x0  }
.LBB2_2:
0x10: {  	p0 =	sne.s32 s16, $0x9FC0;
	[tilespmem:s17+$0x1398] =	vst v0;
	s17 =	smov.u32 s16;
	s16 =	sadd.s32 $0x40, s16  }
.Ltmp0:
0x11: {  	(pc) =	sbr.rel @p0 .LBB2_2-.Ltmp0, $2  }
0x12: {  	_ =	sdelay $0x2  }
0x13: {  	s17 =	sshra.s32 s17, $0x2  }
0x14: {  	[tilespmem:s17+$0x1398] =	vst v0  }
0x15: {  	_ =	swait.ge [sflag:s8], $0x1388  }
0x16: {  	[sflag:s8] =	ssyncset.done $0x0  }
0x17: {  	s17 =	simm.s32 $0x0;
	s16 =	simm.s32 $0x40;
	[sflag:s8] =	ssyncadd.s32 $0xFFFFEC78  }
.LBB2_4:
0x18: {  	p0 =	sne.s32 s16, $0x4DC0;
	v2 =	vld [tilespmem:s17+$0x0];
	_ =	sdelay $0x3  }
.Ltmp1:
0x19: {  	(pc) =	sbr.rel @p0 .LBB2_4-.Ltmp1, $2  }
0x1a: {  	_ =	sdelay $0x2  }
0x1b: {  	s17 =	sshra.s32 s16, $0x2;
	s16 =	sadd.s32 $0x40, s16;
	[tilespmem:v2+s9+$0x0] =	vst.idx.add.f32.msk $0xffff, v1  }
0x1c: {  	v2 =	vld [tilespmem:s17+$0x0];
	_ =	sdelay $0x7  }
0x1d: {  	[tilespmem:v2+s9+$0x0] =	vst.idx.add.f32.msk $0xffff, v1  }
0x1e: {  	v2 =	vld [tilespmem:$0x1380];
	_ =	sdelay $0x4  }
0x1f: {  	v2 =	vnsel vm0, $0x2710, v2;
	_ =	sdelay $0x4  }
0x20: {  	[tilespmem:v2+s9+$0x0] =	vst.idx.add.f32.msk $0xffff, v1  }
0x21: {  	[spmem:s4] =	stream.linear.scatter [tilespmem:s9], [sflag:$0x2], $0x2800, $0x38;
	[tilespmem:$0x8E18] =	vst v63  }
0x22: {  	_ =	swait.ge [sflag:s10], $0x2800  }
0x23: {  	[sflag:s10] =	ssyncset.done $0x0  }
0x24: {  	[sflag:s10] =	ssyncadd.s32 $0xFFFFD800  }
0x25: {  	[bflag:$0x0] =	sbarrier.arrive $0xFFFF  }
0x26: {  	[tilespmem:s13], [sflag:$0x2] =	stream.strided.gather [spmem:s5], $0x2800, s12, s11, $0x38;
	[tilespmem:$0x8E18] =	vst v63  }
0x27: {  	_ =	swait.ge [sflag:s10], $0x2800  }
0x28: {  	[sflag:s10] =	ssyncset.done $0x0  }
0x29: {  	s17 =	simm.s32 $0x0;
	[sflag:s10] =	ssyncadd.s32 $0xFFFFD800  }
0x2a: {  	v2 =	vld [tilespmem:s17+$0x3B98]  }
0x2b: {  	v3 =	vld [tilespmem:s17+$0x3E18];
	_ =	sdelay $0x1  }
0x2c: {  	v4 =	vld [tilespmem:s17+$0x4098];
	_ =	sdelay $0x1  }
0x2d: {  	v5 =	vld [tilespmem:s17+$0x4318]  }
0x2e: {  	v2 =	vadd.f32 v3, v2  }
0x2f: {  	v3 =	vld [tilespmem:s17+$0x4598]  }
0x30: {  	v2 =	vadd.f32 v4, v2  }
0x31: {  	v4 =	vld [tilespmem:s17+$0x4818]  }
0x32: {  	v2 =	vadd.f32 v5, v2  }
0x33: {  	v5 =	vld [tilespmem:s17+$0x4A98]  }
0x34: {  	v2 =	vadd.f32 v3, v2  }
0x35: {  	v3 =	vld [tilespmem:s17+$0x4D18]  }
0x36: {  	s16 =	simm.s32 $0x10;
	v6 =	vld [tilespmem:s17+$0x4F98];
	v2 =	vadd.f32 v4, v2  }
0x37: {  	v7 =	vld [tilespmem:s16+$0x3B98]  }
0x38: {  	v4 =	vld [tilespmem:s17+$0x5218];
	v2 =	vadd.f32 v5, v2  }
0x39: {  	v5 =	vld [tilespmem:s16+$0x3E18]  }
0x3a: {  	v8 =	vld [tilespmem:s16+$0x4098];
	v2 =	vadd.f32 v3, v2  }
0x3b: {  	v3 =	vld [tilespmem:s17+$0x5498]  }
0x3c: {  	v9 =	vld [tilespmem:s16+$0x4318];
	v2 =	vadd.f32 v6, v2  }
0x3d: {  	v6 =	vld [tilespmem:s17+$0x5718]  }
0x3e: {  	v5 =	vadd.f32 v5, v7;
	v7 =	vld [tilespmem:s16+$0x4598];
	v2 =	vadd.f32 v4, v2  }
0x3f: {  	v4 =	vld [tilespmem:s17+$0x5998]  }
0x40: {  	v5 =	vadd.f32 v8, v5;
	v8 =	vld [tilespmem:s16+$0x4818];
	v2 =	vadd.f32 v3, v2  }
0x41: {  	v3 =	vld [tilespmem:s17+$0x5C18]  }
0x42: {  	v10 =	vld [tilespmem:s16+$0x4A98];
	v5 =	vadd.f32 v9, v5;
	v2 =	vadd.f32 v6, v2  }
0x43: {  	v9 =	vld [tilespmem:s17+$0x5E98]  }
0x44: {  	v6 =	vadd.f32 v7, v5;
	v5 =	vld [tilespmem:s16+$0x4D18];
	v7 =	vadd.f32 v4, v2  }
0x45: {  	v4 =	vld [tilespmem:s17+$0x6118]  }
0x46: {  	v2 =	vld [tilespmem:s16+$0x5218];
	v8 =	vadd.f32 v8, v6;
	v11 =	vadd.f32 v3, v7  }
0x47: {  	s18 =	simm.s32 $0x20;
	v6 =	vld [tilespmem:s16+$0x4F98]  }
0x48: {  	s19 =	simm.s32 $0xC0;
	v3 =	vld [tilespmem:s18+$0x3B98];
	v7 =	vadd.f32 v10, v8;
	v8 =	vadd.f32 v9, v11  }
.LBB2_6:
0x49: {  	p0 =	sne.s32 s19, $0x9C0;
	v9 =	vld [tilespmem:s18+$0x3E18]  }
0x4a: {  	v5 =	vadd.f32 v5, v7;
	v7 =	vld [tilespmem:s16+$0x5498];
	v4 =	vadd.f32 v4, v8  }
0x4b: {  	v8 =	vld [tilespmem:s18+$0x4098]  }
0x4c: {  	v5 =	vadd.f32 v6, v5;
	v6 =	vld [tilespmem:s16+$0x5718];
	[tilespmem:s17+$0x6398] =	vst v4;
	s17 =	smov.u32 s16;
	s16 =	smov.u32 s18  }
0x4d: {  	v4 =	vld [tilespmem:s16+$0x4318]  }
0x4e: {  	v3 =	vadd.f32 v9, v3;
	v2 =	vadd.f32 v2, v5;
	v5 =	vld [tilespmem:s17+$0x5998]  }
0x4f: {  	v9 =	vld [tilespmem:s16+$0x4598]  }
0x50: {  	v3 =	vadd.f32 v8, v3;
	v2 =	vadd.f32 v7, v2;
	v7 =	vld [tilespmem:s17+$0x5C18]  }
0x51: {  	v8 =	vld [tilespmem:s16+$0x4818]  }
0x52: {  	v3 =	vadd.f32 v4, v3;
	v2 =	vadd.f32 v6, v2;
	v10 =	vld [tilespmem:s17+$0x5E98]  }
0x53: {  	v11 =	vld [tilespmem:s16+$0x4A98]  }
.Ltmp2:
0x54: {  	v3 =	vadd.f32 v9, v3;
	v6 =	vadd.f32 v5, v2;
	v4 =	vld [tilespmem:s17+$0x6118];
	(pc) =	sbr.rel @p0 .LBB2_6-.Ltmp2, $4  }
0x55: {  	v5 =	vld [tilespmem:s16+$0x4D18]  }
0x56: {  	v8 =	vadd.f32 v8, v3;
	v2 =	vld [tilespmem:s16+$0x5218];
	v9 =	vadd.f32 v7, v6  }
0x57: {  	s18 =	sshra.s32 s19, $0x2;
	v6 =	vld [tilespmem:s16+$0x4F98]  }
0x58: {  	s19 =	sadd.s32 $0x40, s19;
	v3 =	vld [tilespmem:s18+$0x3B98];
	v7 =	vadd.f32 v11, v8;
	v8 =	vadd.f32 v10, v9  }
0x59: {  	v9 =	vld [tilespmem:s18+$0x3E18]  }
0x5a: {  	v10 =	vld [tilespmem:s16+$0x5498];
	v4 =	vadd.f32 v4, v8  }
0x5b: {  	v49 =	vld [tilespmem:s18+$0x4098]  }
0x5c: {  	v11 =	vld [tilespmem:s16+$0x5718];
	v5 =	vadd.f32 v5, v7;
	[tilespmem:s17+$0x6398] =	vst v4  }
0x5d: {  	v4 =	vld [tilespmem:s18+$0x4318]  }
0x5e: {  	v5 =	vadd.f32 v6, v5;
	v3 =	vadd.f32 v9, v3  }
0x5f: {  	v50 =	vld [tilespmem:s18+$0x4598]  }
0x60: {  	v51 =	vld [tilespmem:s16+$0x5998];
	v2 =	vadd.f32 v2, v5;
	v3 =	vadd.f32 v49, v3  }
0x61: {  	v52 =	vld [tilespmem:s18+$0x4818]  }
0x62: {  	v53 =	vld [tilespmem:s16+$0x5C18];
	v2 =	vadd.f32 v10, v2;
	v3 =	vadd.f32 v4, v3  }
0x63: {  	v54 =	vld [tilespmem:s18+$0x4A98]  }
0x64: {  	v55 =	vld [tilespmem:s16+$0x5E98];
	v2 =	vadd.f32 v11, v2;
	v3 =	vadd.f32 v50, v3  }
0x65: {  	v56 =	vld [tilespmem:s18+$0x4D18]  }
0x66: {  	v57 =	vld [tilespmem:s16+$0x6118];
	v2 =	vadd.f32 v51, v2;
	v3 =	vadd.f32 v52, v3  }
0x67: {  	v58 =	vld [tilespmem:s18+$0x4F98]  }
0x68: {  	v2 =	vadd.f32 v53, v2;
	v3 =	vadd.f32 v54, v3  }
0x69: {  	v59 =	vld [tilespmem:s18+$0x5218]  }
0x6a: {  	v2 =	vadd.f32 v55, v2;
	v3 =	vadd.f32 v56, v3  }
0x6b: {  	v60 =	vld [tilespmem:s18+$0x5498]  }
0x6c: {  	v2 =	vadd.f32 v57, v2;
	v3 =	vadd.f32 v58, v3  }
0x6d: {  	v61 =	vld [tilespmem:s18+$0x5718]  }
0x6e: {  	[tilespmem:s16+$0x6398] =	vst v2;
	v2 =	vadd.f32 v59, v3  }
0x6f: {  	v3 =	vld [tilespmem:s18+$0x5998]  }
0x70: {  	v2 =	vadd.f32 v60, v2  }
0x71: {  	v62 =	vld [tilespmem:s18+$0x5C18]  }
0x72: {  	v2 =	vadd.f32 v61, v2  }
0x73: {  	v63 =	vld [tilespmem:s18+$0x5E98]  }
0x74: {  	v2 =	vadd.f32 v3, v2  }
0x75: {  	v3 =	vld [tilespmem:s18+$0x6118]  }
0x76: {  	v2 =	vadd.f32 v62, v2;
	_ =	sdelay $0x1  }
0x77: {  	v2 =	vadd.f32 v63, v2;
	_ =	sdelay $0x1  }
0x78: {  	s15 =	sadd.s32 $0x1, s15;
	v2 =	vadd.f32 v3, v2  }
0x79: {  	p0 =	sne.s32 s15, s7  }
.Ltmp3:
0x7a: {  	[tilespmem:s18+$0x6398] =	vst v2;
	(pc) =	sbr.rel @p0 .LBB2_1-.Ltmp3, $4  }
0x7b: {  	[hbm4b:s6+s2] =	stream.linear.scatter [tilespmem:s14], [sflag:$0x2], $0x280, $0x38;
	[tilespmem:$0x8E18] =	vst v63  }
0x7c: {  	_ =	swait.ge [sflag:s10], $0x280  }
0x7d: {  	[sflag:s10] =	ssyncset.done $0x0  }
0x7e: {  	[sflag:s10] =	ssyncadd.s32 $0xFFFFFD80  }
0x7f: {  	_ =	sfence.sel $0x180000  }
0x80: {  	[bflag:$0x0] =	sbarrier.arrive $0xFFFF  }
0x81: {  	p0 =	sne.s32 s0, $0x0;
	_ =	strace $0x90000047  }
0x82: {  	s0 =	sadd.s32 @!p0 $0x100000, s1;
	[bflag:$0x2] =	sbarrier.arrive $0xFFFF  }
0x83: {  	[sflag:s0] =	ssyncadd.tile.s32 @!p0 $0x1;
	_ =	shalt  }
.Lfunc_end2:
_tile_overlayer_lowered:
.L_overlay_start_2:
0x84: {  	(tag) =	ssettag $0x2  }
0x85: {  	s0 =	rddreg [dreg:$0x0];
	s2 =	stileid.u32  }
0x86: {  	s1 =	rddreg [dreg:$0x1];
	p0 =	sne.s32 s2, $0x0  }
0x87: {  	s3 =	rddreg [dreg:$0x2];
	[bflag:$0x3] =	sbarrier.arrive $0xFFFF;
	s2 =	simm.s32 @!p0 $0x1C02  }
0x88: {  	[timem:s3], [sflag:s2] =	dma.local @!p0 [hbm:s0], s1  }
0x89: {  	s0 =	simm.s32 @!p0 $0x2  }
0x8a: {  	_ =	swait.ge @!p0 [sflag:s0], s1  }
0x8b: {  	s1 =	ssub.s32 @!p0 $0x0, s1;
	[sflag:s0] =	ssyncset.done @!p0 $0x0  }
0x8c: {  	[sflag:s0] =	ssyncadd.s32 @!p0 s1  }
0x8d: {  	[bflag:$0x3] =	sbarrier.arrive $0xFFFF  }
0x8e: {  	_ =	shalt  }

</sc_bundles>
